<compile_context>
chip_gen: v7x
topology: tpu7x:2x2x1
jax: 0.10.2.dev20260603
libtpu: 0.0.44.dev20260713+nightly
codegen_flags: <defaults>
</compile_context>

<pallas_src>
import functools

import jax
import jax.numpy as jnp
from jax import lax
from jax.experimental import pallas as pl
from jax.experimental.pallas import tpu as pltpu
from jax.experimental.pallas import tpu_sc as plsc

VOCAB = 1000000
D_MODEL = 64
ROWS = 4096 * 200
K = 128
NUM_CHUNKS = ROWS // K
PAIRS = NUM_CHUNKS // 2
NBUF = 4


def _build_gather(num_workers):
    chunks_per_w = NUM_CHUNKS // num_workers
    pairs_per_w = chunks_per_w // 2
    mesh = plsc.VectorSubcoreMesh(core_axis_name="c", subcore_axis_name="s")
    nc = 2

    @functools.partial(
        pl.kernel,
        mesh=mesh,
        out_type=jax.ShapeDtypeStruct((ROWS, D_MODEL), jnp.float32),
        compiler_params=pltpu.CompilerParams(use_tc_tiling_on_sc=False),
        scratch_types=[
            pltpu.VMEM((chunks_per_w, K), jnp.int32),
            pltpu.VMEM((NBUF, 2 * K, D_MODEL), jnp.float32),
            pltpu.SemaphoreType.DMA((NBUF,)),
            pltpu.SemaphoreType.DMA((NBUF,)),
        ],
    )
    def gather_kernel(idx_hbm, table_hbm, out_hbm, idx_v, rows_v, gsem, wsem):
        wid = lax.axis_index("s") * nc + lax.axis_index("c")
        cbase = wid * chunks_per_w
        pltpu.sync_copy(idx_hbm.at[pl.ds(cbase, chunks_per_w)], idx_v)

        def fire_pair(p, b):
            pltpu.async_copy(table_hbm.at[idx_v.at[2 * p]],
                             rows_v.at[b, pl.ds(0, K)], gsem.at[b])
            pltpu.async_copy(table_hbm.at[idx_v.at[2 * p + 1]],
                             rows_v.at[b, pl.ds(K, K)], gsem.at[b])

        for b in range(NBUF):
            fire_pair(b, b)

        def outer(i, carry):
            p0 = i * NBUF
            for b in range(NBUF):
                p = p0 + b
                pltpu.make_async_copy(out_hbm.at[pl.ds(0, 2 * K)],
                                      rows_v.at[b], gsem.at[b]).wait()
                dst = out_hbm.at[pl.ds((cbase + 2 * p) * K, 2 * K)]
                pltpu.async_copy(rows_v.at[b], dst, wsem.at[b])

                @pl.when(p + NBUF < pairs_per_w)
                def _():
                    pltpu.make_async_copy(rows_v.at[b], dst,
                                          wsem.at[b]).wait()
                    fire_pair(p + NBUF, b)
            return carry

        lax.fori_loop(0, pairs_per_w // NBUF, outer, 0, unroll=False)

        for b in range(NBUF):
            pltpu.make_async_copy(
                rows_v.at[b], out_hbm.at[pl.ds(cbase * K, 2 * K)],
                wsem.at[b]).wait()

    return gather_kernel


def kernel(inputs, table):
    info = plsc.get_sparse_core_info()
    num_workers = info.num_cores * info.num_subcores
    idx = inputs.reshape(NUM_CHUNKS, K).astype(jnp.int32)
    out = _build_gather(num_workers)(idx, table)
    return out.reshape(inputs.shape + (D_MODEL,))

# --- scband reference (transcript-rebuilt; emitter-appended) ---
"""Pipeline reference for scband-embedding-28209345200543 (READ-ONLY COPY).

The authoritative reference and input builder live on the scoring server;
editing this copy changes nothing except your own understanding.
"""

import jax, jax.numpy as jnp
import numpy as np

VOCAB = 1000000
D_MODEL = 64
PADDING_IDX = 0

def setup_inputs(seed: int = 0) -> dict:
    key = jax.random.key(seed)
    k1, k2 = jax.random.split(key)
    inputs = jax.random.randint(k1, (4096, 200), 0, VOCAB, dtype=jnp.int64) if jax.config.jax_enable_x64 else jax.random.randint(k1, (4096, 200), 0, VOCAB, dtype=jnp.int32)
    table = jax.random.normal(k2, (VOCAB, D_MODEL), dtype=jnp.float32)
    # nn.Embedding with padding_idx initializes the padding row to zeros
    table = table.at[PADDING_IDX].set(0.0)
    return {"inputs": inputs, "table": table}

def reference(inputs, table):
    # Faithful translation of nn.Embedding forward: gather rows of the table
    return jnp.take(table, inputs, axis=0)

if __name__ == "__main__":
    import jax
    _d = setup_inputs()
    print(jax.jit(kernel)(*tuple(_d.values())))

</pallas_src>

<mosaic_0001>
#map = affine_map<(d0, d1) -> (0, 0)>
module attributes {stable_mosaic.version = 14 : i64} {
  func.func @gather_kernel(%arg0: i32, %arg1: i32, %arg2: memref<6400x128xi32, #tpu.memory_space<hbm>>, %arg3: memref<1000000x64xf32, #tpu.memory_space<hbm>>, %arg4: memref<819200x64xf32, #tpu.memory_space<hbm>>, %arg5: memref<200x128xi32, #tpu.memory_space<vmem>>, %arg6: memref<4x256x64xf32, #tpu.memory_space<vmem>>, %arg7: memref<4x!tpu.dma_semaphore, #tpu.memory_space<semaphore_mem>>, %arg8: memref<4x!tpu.dma_semaphore, #tpu.memory_space<semaphore_mem>>) attributes {dimension_semantics = [#tpu.dimension_semantics<core_parallel>, #tpu.dimension_semantics<subcore_parallel>], iteration_bounds = array<i64: 2, 16>, scalar_prefetch = 0 : i64, scratch_operands = 4 : i64, tpu.core_type = #tpu.core_type<sc_vector_subcore>, window_params = [{transform_indices = #map}, {transform_indices = #map}, {transform_indices = #map}]} {
    %mul3A = arith.constant 2 : i32
    %mul3A_0 = arith.muli %arg1, %mul3A : i32
    %add3A = arith.addi %mul3A_0, %arg0 : i32
    %mul3A_1 = arith.constant 200 : i32
    %mul3A_2 = arith.muli %add3A, %mul3A_1 : i32
    "tpu.region"() ({
      %run_scoped3A = tpu.sem_alloc : memref<!tpu.dma_semaphore, #tpu.memory_space<semaphore_mem>>
      %dma_start3A_198 = arith.constant 0 : i32
      %dma_start3A_199 = tpu.memref_slice %arg2[%mul3A_2, %dma_start3A_198] : memref<6400x128xi32, #tpu.memory_space<hbm>> -> memref<200x128xi32, #tpu.memory_space<hbm>>
      %dma_start3A_200 = arith.constant 0 : i32
      %dma_start3A_201 = tpu.memref_slice %arg2[%mul3A_2, %dma_start3A_200] : memref<6400x128xi32, #tpu.memory_space<hbm>> -> memref<200x128xi32, #tpu.memory_space<hbm>>
      tpu.enqueue_dma source(%dma_start3A_201 : memref<200x128xi32, #tpu.memory_space<hbm>>) target(%arg5 : memref<200x128xi32, #tpu.memory_space<vmem>>) target_semaphore(%run_scoped3A : memref<!tpu.dma_semaphore, #tpu.memory_space<semaphore_mem>>)
      %dma_wait3A_202 = arith.constant 0 : i32
      %dma_wait3A_203 = tpu.memref_slice %arg2[%mul3A_2, %dma_wait3A_202] : memref<6400x128xi32, #tpu.memory_space<hbm>> -> memref<200x128xi32, #tpu.memory_space<hbm>>
      %dma_wait3A_204 = arith.constant 0 : i32
      %dma_wait3A_205 = tpu.memref_slice %arg2[%mul3A_2, %dma_wait3A_204] : memref<6400x128xi32, #tpu.memory_space<hbm>> -> memref<200x128xi32, #tpu.memory_space<hbm>>
      tpu.wait_dma2 semaphore(%run_scoped3A : memref<!tpu.dma_semaphore, #tpu.memory_space<semaphore_mem>>) src(%dma_wait3A_205 : memref<200x128xi32, #tpu.memory_space<hbm>>) dst(%arg5 : memref<200x128xi32, #tpu.memory_space<vmem>>)
      tpu.yield
    }) : () -> ()
    %dma_start3A = arith.constant 0 : i32
    %dma_start3A_3 = arith.constant 0 : i32
    %dma_start3A_4 = arith.constant 0 : i32
    %dma_start3A_5 = arith.constant 0 : i32
    %dma_start3A_6 = arith.constant 0 : i32
    %dma_start3A_7 = tpu.memref_slice %arg6[%dma_start3A_3, %dma_start3A_5, %dma_start3A_6] : memref<4x256x64xf32, #tpu.memory_space<vmem>> -> memref<1x128x64xf32, #tpu.memory_space<vmem>>
    %dma_start3A_8 = tpu.memref_squeeze %dma_start3A_7 : memref<1x128x64xf32, #tpu.memory_space<vmem>> -> memref<128x64xf32, #tpu.memory_space<vmem>>
    %dma_start3A_9 = arith.constant 0 : i32
    %dma_start3A_10 = tpu.memref_slice %arg5[%dma_start3A, %dma_start3A_9] : memref<200x128xi32, #tpu.memory_space<vmem>> -> memref<1x128xi32, #tpu.memory_space<vmem>>
    %dma_start3A_11 = tpu.memref_squeeze %dma_start3A_10 : memref<1x128xi32, #tpu.memory_space<vmem>> -> memref<128xi32, #tpu.memory_space<vmem>>
    %dma_start3A_12 = arith.constant 0 : i32
    %dma_start3A_13 = arith.constant 0 : i32
    %dma_start3A_14 = tpu.memref_slice %arg3[%dma_start3A_12, %dma_start3A_13] : memref<1000000x64xf32, #tpu.memory_space<hbm>> -> memref<1000000x64xf32, #tpu.memory_space<hbm>>
    %dma_start3A_15 = tpu.memref_slice %arg7[%dma_start3A_4] : memref<4x!tpu.dma_semaphore, #tpu.memory_space<semaphore_mem>> -> memref<1x!tpu.dma_semaphore, #tpu.memory_space<semaphore_mem>>
    %dma_start3A_16 = tpu.memref_squeeze %dma_start3A_15 : memref<1x!tpu.dma_semaphore, #tpu.memory_space<semaphore_mem>> -> memref<!tpu.dma_semaphore, #tpu.memory_space<semaphore_mem>>
    tpu.enqueue_indirect_dma source(%dma_start3A_14 : memref<1000000x64xf32, #tpu.memory_space<hbm>>) target(%dma_start3A_8 : memref<128x64xf32, #tpu.memory_space<vmem>>) offsets(%dma_start3A_11 : memref<128xi32, #tpu.memory_space<vmem>>) semaphore(%dma_start3A_16 : memref<!tpu.dma_semaphore, #tpu.memory_space<semaphore_mem>>)
    %dma_start3A_17 = arith.constant 1 : i32
    %dma_start3A_18 = arith.constant 0 : i32
    %dma_start3A_19 = arith.constant 0 : i32
    %dma_start3A_20 = arith.constant 128 : i32
    %dma_start3A_21 = arith.constant 0 : i32
    %dma_start3A_22 = tpu.memref_slice %arg6[%dma_start3A_18, %dma_start3A_20, %dma_start3A_21] : memref<4x256x64xf32, #tpu.memory_space<vmem>> -> memref<1x128x64xf32, #tpu.memory_space<vmem>>
    %dma_start3A_23 = tpu.memref_squeeze %dma_start3A_22 : memref<1x128x64xf32, #tpu.memory_space<vmem>> -> memref<128x64xf32, #tpu.memory_space<vmem>>
    %dma_start3A_24 = arith.constant 0 : i32
    %dma_start3A_25 = tpu.memref_slice %arg5[%dma_start3A_17, %dma_start3A_24] : memref<200x128xi32, #tpu.memory_space<vmem>> -> memref<1x128xi32, #tpu.memory_space<vmem>>
    %dma_start3A_26 = tpu.memref_squeeze %dma_start3A_25 : memref<1x128xi32, #tpu.memory_space<vmem>> -> memref<128xi32, #tpu.memory_space<vmem>>
    %dma_start3A_27 = arith.constant 0 : i32
    %dma_start3A_28 = arith.constant 0 : i32
    %dma_start3A_29 = tpu.memref_slice %arg3[%dma_start3A_27, %dma_start3A_28] : memref<1000000x64xf32, #tpu.memory_space<hbm>> -> memref<1000000x64xf32, #tpu.memory_space<hbm>>
    %dma_start3A_30 = tpu.memref_slice %arg7[%dma_start3A_19] : memref<4x!tpu.dma_semaphore, #tpu.memory_space<semaphore_mem>> -> memref<1x!tpu.dma_semaphore, #tpu.memory_space<semaphore_mem>>
    %dma_start3A_31 = tpu.memref_squeeze %dma_start3A_30 : memref<1x!tpu.dma_semaphore, #tpu.memory_space<semaphore_mem>> -> memref<!tpu.dma_semaphore, #tpu.memory_space<semaphore_mem>>
    tpu.enqueue_indirect_dma source(%dma_start3A_29 : memref<1000000x64xf32, #tpu.memory_space<hbm>>) target(%dma_start3A_23 : memref<128x64xf32, #tpu.memory_space<vmem>>) offsets(%dma_start3A_26 : memref<128xi32, #tpu.memory_space<vmem>>) semaphore(%dma_start3A_31 : memref<!tpu.dma_semaphore, #tpu.memory_space<semaphore_mem>>)
    %dma_start3A_32 = arith.constant 2 : i32
    %dma_start3A_33 = arith.constant 1 : i32
    %dma_start3A_34 = arith.constant 1 : i32
    %dma_start3A_35 = arith.constant 0 : i32
    %dma_start3A_36 = arith.constant 0 : i32
    %dma_start3A_37 = tpu.memref_slice %arg6[%dma_start3A_33, %dma_start3A_35, %dma_start3A_36] : memref<4x256x64xf32, #tpu.memory_space<vmem>> -> memref<1x128x64xf32, #tpu.memory_space<vmem>>
    %dma_start3A_38 = tpu.memref_squeeze %dma_start3A_37 : memref<1x128x64xf32, #tpu.memory_space<vmem>> -> memref<128x64xf32, #tpu.memory_space<vmem>>
    %dma_start3A_39 = arith.constant 0 : i32
    %dma_start3A_40 = tpu.memref_slice %arg5[%dma_start3A_32, %dma_start3A_39] : memref<200x128xi32, #tpu.memory_space<vmem>> -> memref<1x128xi32, #tpu.memory_space<vmem>>
    %dma_start3A_41 = tpu.memref_squeeze %dma_start3A_40 : memref<1x128xi32, #tpu.memory_space<vmem>> -> memref<128xi32, #tpu.memory_space<vmem>>
    %dma_start3A_42 = arith.constant 0 : i32
    %dma_start3A_43 = arith.constant 0 : i32
    %dma_start3A_44 = tpu.memref_slice %arg3[%dma_start3A_42, %dma_start3A_43] : memref<1000000x64xf32, #tpu.memory_space<hbm>> -> memref<1000000x64xf32, #tpu.memory_space<hbm>>
    %dma_start3A_45 = tpu.memref_slice %arg7[%dma_start3A_34] : memref<4x!tpu.dma_semaphore, #tpu.memory_space<semaphore_mem>> -> memref<1x!tpu.dma_semaphore, #tpu.memory_space<semaphore_mem>>
    %dma_start3A_46 = tpu.memref_squeeze %dma_start3A_45 : memref<1x!tpu.dma_semaphore, #tpu.memory_space<semaphore_mem>> -> memref<!tpu.dma_semaphore, #tpu.memory_space<semaphore_mem>>
    tpu.enqueue_indirect_dma source(%dma_start3A_44 : memref<1000000x64xf32, #tpu.memory_space<hbm>>) target(%dma_start3A_38 : memref<128x64xf32, #tpu.memory_space<vmem>>) offsets(%dma_start3A_41 : memref<128xi32, #tpu.memory_space<vmem>>) semaphore(%dma_start3A_46 : memref<!tpu.dma_semaphore, #tpu.memory_space<semaphore_mem>>)
    %dma_start3A_47 = arith.constant 3 : i32
    %dma_start3A_48 = arith.constant 1 : i32
    %dma_start3A_49 = arith.constant 1 : i32
    %dma_start3A_50 = arith.constant 128 : i32
    %dma_start3A_51 = arith.constant 0 : i32
    %dma_start3A_52 = tpu.memref_slice %arg6[%dma_start3A_48, %dma_start3A_50, %dma_start3A_51] : memref<4x256x64xf32, #tpu.memory_space<vmem>> -> memref<1x128x64xf32, #tpu.memory_space<vmem>>
    %dma_start3A_53 = tpu.memref_squeeze %dma_start3A_52 : memref<1x128x64xf32, #tpu.memory_space<vmem>> -> memref<128x64xf32, #tpu.memory_space<vmem>>
    %dma_start3A_54 = arith.constant 0 : i32
    %dma_start3A_55 = tpu.memref_slice %arg5[%dma_start3A_47, %dma_start3A_54] : memref<200x128xi32, #tpu.memory_space<vmem>> -> memref<1x128xi32, #tpu.memory_space<vmem>>
    %dma_start3A_56 = tpu.memref_squeeze %dma_start3A_55 : memref<1x128xi32, #tpu.memory_space<vmem>> -> memref<128xi32, #tpu.memory_space<vmem>>
    %dma_start3A_57 = arith.constant 0 : i32
    %dma_start3A_58 = arith.constant 0 : i32
    %dma_start3A_59 = tpu.memref_slice %arg3[%dma_start3A_57, %dma_start3A_58] : memref<1000000x64xf32, #tpu.memory_space<hbm>> -> memref<1000000x64xf32, #tpu.memory_space<hbm>>
    %dma_start3A_60 = tpu.memref_slice %arg7[%dma_start3A_49] : memref<4x!tpu.dma_semaphore, #tpu.memory_space<semaphore_mem>> -> memref<1x!tpu.dma_semaphore, #tpu.memory_space<semaphore_mem>>
    %dma_start3A_61 = tpu.memref_squeeze %dma_start3A_60 : memref<1x!tpu.dma_semaphore, #tpu.memory_space<semaphore_mem>> -> memref<!tpu.dma_semaphore, #tpu.memory_space<semaphore_mem>>
    tpu.enqueue_indirect_dma source(%dma_start3A_59 : memref<1000000x64xf32, #tpu.memory_space<hbm>>) target(%dma_start3A_53 : memref<128x64xf32, #tpu.memory_space<vmem>>) offsets(%dma_start3A_56 : memref<128xi32, #tpu.memory_space<vmem>>) semaphore(%dma_start3A_61 : memref<!tpu.dma_semaphore, #tpu.memory_space<semaphore_mem>>)
    %dma_start3A_62 = arith.constant 4 : i32
    %dma_start3A_63 = arith.constant 2 : i32
    %dma_start3A_64 = arith.constant 2 : i32
    %dma_start3A_65 = arith.constant 0 : i32
    %dma_start3A_66 = arith.constant 0 : i32
    %dma_start3A_67 = tpu.memref_slice %arg6[%dma_start3A_63, %dma_start3A_65, %dma_start3A_66] : memref<4x256x64xf32, #tpu.memory_space<vmem>> -> memref<1x128x64xf32, #tpu.memory_space<vmem>>
    %dma_start3A_68 = tpu.memref_squeeze %dma_start3A_67 : memref<1x128x64xf32, #tpu.memory_space<vmem>> -> memref<128x64xf32, #tpu.memory_space<vmem>>
    %dma_start3A_69 = arith.constant 0 : i32
    %dma_start3A_70 = tpu.memref_slice %arg5[%dma_start3A_62, %dma_start3A_69] : memref<200x128xi32, #tpu.memory_space<vmem>> -> memref<1x128xi32, #tpu.memory_space<vmem>>
    %dma_start3A_71 = tpu.memref_squeeze %dma_start3A_70 : memref<1x128xi32, #tpu.memory_space<vmem>> -> memref<128xi32, #tpu.memory_space<vmem>>
    %dma_start3A_72 = arith.constant 0 : i32
    %dma_start3A_73 = arith.constant 0 : i32
    %dma_start3A_74 = tpu.memref_slice %arg3[%dma_start3A_72, %dma_start3A_73] : memref<1000000x64xf32, #tpu.memory_space<hbm>> -> memref<1000000x64xf32, #tpu.memory_space<hbm>>
    %dma_start3A_75 = tpu.memref_slice %arg7[%dma_start3A_64] : memref<4x!tpu.dma_semaphore, #tpu.memory_space<semaphore_mem>> -> memref<1x!tpu.dma_semaphore, #tpu.memory_space<semaphore_mem>>
    %dma_start3A_76 = tpu.memref_squeeze %dma_start3A_75 : memref<1x!tpu.dma_semaphore, #tpu.memory_space<semaphore_mem>> -> memref<!tpu.dma_semaphore, #tpu.memory_space<semaphore_mem>>
    tpu.enqueue_indirect_dma source(%dma_start3A_74 : memref<1000000x64xf32, #tpu.memory_space<hbm>>) target(%dma_start3A_68 : memref<128x64xf32, #tpu.memory_space<vmem>>) offsets(%dma_start3A_71 : memref<128xi32, #tpu.memory_space<vmem>>) semaphore(%dma_start3A_76 : memref<!tpu.dma_semaphore, #tpu.memory_space<semaphore_mem>>)
    %dma_start3A_77 = arith.constant 5 : i32
    %dma_start3A_78 = arith.constant 2 : i32
    %dma_start3A_79 = arith.constant 2 : i32
    %dma_start3A_80 = arith.constant 128 : i32
    %dma_start3A_81 = arith.constant 0 : i32
    %dma_start3A_82 = tpu.memref_slice %arg6[%dma_start3A_78, %dma_start3A_80, %dma_start3A_81] : memref<4x256x64xf32, #tpu.memory_space<vmem>> -> memref<1x128x64xf32, #tpu.memory_space<vmem>>
    %dma_start3A_83 = tpu.memref_squeeze %dma_start3A_82 : memref<1x128x64xf32, #tpu.memory_space<vmem>> -> memref<128x64xf32, #tpu.memory_space<vmem>>
    %dma_start3A_84 = arith.constant 0 : i32
    %dma_start3A_85 = tpu.memref_slice %arg5[%dma_start3A_77, %dma_start3A_84] : memref<200x128xi32, #tpu.memory_space<vmem>> -> memref<1x128xi32, #tpu.memory_space<vmem>>
    %dma_start3A_86 = tpu.memref_squeeze %dma_start3A_85 : memref<1x128xi32, #tpu.memory_space<vmem>> -> memref<128xi32, #tpu.memory_space<vmem>>
    %dma_start3A_87 = arith.constant 0 : i32
    %dma_start3A_88 = arith.constant 0 : i32
    %dma_start3A_89 = tpu.memref_slice %arg3[%dma_start3A_87, %dma_start3A_88] : memref<1000000x64xf32, #tpu.memory_space<hbm>> -> memref<1000000x64xf32, #tpu.memory_space<hbm>>
    %dma_start3A_90 = tpu.memref_slice %arg7[%dma_start3A_79] : memref<4x!tpu.dma_semaphore, #tpu.memory_space<semaphore_mem>> -> memref<1x!tpu.dma_semaphore, #tpu.memory_space<semaphore_mem>>
    %dma_start3A_91 = tpu.memref_squeeze %dma_start3A_90 : memref<1x!tpu.dma_semaphore, #tpu.memory_space<semaphore_mem>> -> memref<!tpu.dma_semaphore, #tpu.memory_space<semaphore_mem>>
    tpu.enqueue_indirect_dma source(%dma_start3A_89 : memref<1000000x64xf32, #tpu.memory_space<hbm>>) target(%dma_start3A_83 : memref<128x64xf32, #tpu.memory_space<vmem>>) offsets(%dma_start3A_86 : memref<128xi32, #tpu.memory_space<vmem>>) semaphore(%dma_start3A_91 : memref<!tpu.dma_semaphore, #tpu.memory_space<semaphore_mem>>)
    %dma_start3A_92 = arith.constant 6 : i32
    %dma_start3A_93 = arith.constant 3 : i32
    %dma_start3A_94 = arith.constant 3 : i32
    %dma_start3A_95 = arith.constant 0 : i32
    %dma_start3A_96 = arith.constant 0 : i32
    %dma_start3A_97 = tpu.memref_slice %arg6[%dma_start3A_93, %dma_start3A_95, %dma_start3A_96] : memref<4x256x64xf32, #tpu.memory_space<vmem>> -> memref<1x128x64xf32, #tpu.memory_space<vmem>>
    %dma_start3A_98 = tpu.memref_squeeze %dma_start3A_97 : memref<1x128x64xf32, #tpu.memory_space<vmem>> -> memref<128x64xf32, #tpu.memory_space<vmem>>
    %dma_start3A_99 = arith.constant 0 : i32
    %dma_start3A_100 = tpu.memref_slice %arg5[%dma_start3A_92, %dma_start3A_99] : memref<200x128xi32, #tpu.memory_space<vmem>> -> memref<1x128xi32, #tpu.memory_space<vmem>>
    %dma_start3A_101 = tpu.memref_squeeze %dma_start3A_100 : memref<1x128xi32, #tpu.memory_space<vmem>> -> memref<128xi32, #tpu.memory_space<vmem>>
    %dma_start3A_102 = arith.constant 0 : i32
    %dma_start3A_103 = arith.constant 0 : i32
    %dma_start3A_104 = tpu.memref_slice %arg3[%dma_start3A_102, %dma_start3A_103] : memref<1000000x64xf32, #tpu.memory_space<hbm>> -> memref<1000000x64xf32, #tpu.memory_space<hbm>>
    %dma_start3A_105 = tpu.memref_slice %arg7[%dma_start3A_94] : memref<4x!tpu.dma_semaphore, #tpu.memory_space<semaphore_mem>> -> memref<1x!tpu.dma_semaphore, #tpu.memory_space<semaphore_mem>>
    %dma_start3A_106 = tpu.memref_squeeze %dma_start3A_105 : memref<1x!tpu.dma_semaphore, #tpu.memory_space<semaphore_mem>> -> memref<!tpu.dma_semaphore, #tpu.memory_space<semaphore_mem>>
    tpu.enqueue_indirect_dma source(%dma_start3A_104 : memref<1000000x64xf32, #tpu.memory_space<hbm>>) target(%dma_start3A_98 : memref<128x64xf32, #tpu.memory_space<vmem>>) offsets(%dma_start3A_101 : memref<128xi32, #tpu.memory_space<vmem>>) semaphore(%dma_start3A_106 : memref<!tpu.dma_semaphore, #tpu.memory_space<semaphore_mem>>)
    %dma_start3A_107 = arith.constant 7 : i32
    %dma_start3A_108 = arith.constant 3 : i32
    %dma_start3A_109 = arith.constant 3 : i32
    %dma_start3A_110 = arith.constant 128 : i32
    %dma_start3A_111 = arith.constant 0 : i32
    %dma_start3A_112 = tpu.memref_slice %arg6[%dma_start3A_108, %dma_start3A_110, %dma_start3A_111] : memref<4x256x64xf32, #tpu.memory_space<vmem>> -> memref<1x128x64xf32, #tpu.memory_space<vmem>>
    %dma_start3A_113 = tpu.memref_squeeze %dma_start3A_112 : memref<1x128x64xf32, #tpu.memory_space<vmem>> -> memref<128x64xf32, #tpu.memory_space<vmem>>
    %dma_start3A_114 = arith.constant 0 : i32
    %dma_start3A_115 = tpu.memref_slice %arg5[%dma_start3A_107, %dma_start3A_114] : memref<200x128xi32, #tpu.memory_space<vmem>> -> memref<1x128xi32, #tpu.memory_space<vmem>>
    %dma_start3A_116 = tpu.memref_squeeze %dma_start3A_115 : memref<1x128xi32, #tpu.memory_space<vmem>> -> memref<128xi32, #tpu.memory_space<vmem>>
    %dma_start3A_117 = arith.constant 0 : i32
    %dma_start3A_118 = arith.constant 0 : i32
    %dma_start3A_119 = tpu.memref_slice %arg3[%dma_start3A_117, %dma_start3A_118] : memref<1000000x64xf32, #tpu.memory_space<hbm>> -> memref<1000000x64xf32, #tpu.memory_space<hbm>>
    %dma_start3A_120 = tpu.memref_slice %arg7[%dma_start3A_109] : memref<4x!tpu.dma_semaphore, #tpu.memory_space<semaphore_mem>> -> memref<1x!tpu.dma_semaphore, #tpu.memory_space<semaphore_mem>>
    %dma_start3A_121 = tpu.memref_squeeze %dma_start3A_120 : memref<1x!tpu.dma_semaphore, #tpu.memory_space<semaphore_mem>> -> memref<!tpu.dma_semaphore, #tpu.memory_space<semaphore_mem>>
    tpu.enqueue_indirect_dma source(%dma_start3A_119 : memref<1000000x64xf32, #tpu.memory_space<hbm>>) target(%dma_start3A_113 : memref<128x64xf32, #tpu.memory_space<vmem>>) offsets(%dma_start3A_116 : memref<128xi32, #tpu.memory_space<vmem>>) semaphore(%dma_start3A_121 : memref<!tpu.dma_semaphore, #tpu.memory_space<semaphore_mem>>)
    %scan3A = arith.constant 0 : i32
    %scan3A_122 = arith.constant 0 : i32
    %scan3A_123 = arith.constant 25 : i32
    %scan3A_124 = arith.addi %scan3A_122, %scan3A_123 : i32
    %scan3A_125 = arith.constant 1 : i32
    scf.for %scan3A_198 = %scan3A_122 to %scan3A_124 step %scan3A_125  : i32 {
      %mul3A_199 = arith.constant 4 : i32
      %mul3A_200 = arith.muli %scan3A_198, %mul3A_199 : i32
      %add3A_201 = arith.constant 0 : i32
      %add3A_202 = arith.addi %mul3A_200, %add3A_201 : i32
      %dma_wait3A_203 = arith.constant 0 : i32
      %dma_wait3A_204 = arith.constant 0 : i32
      %dma_wait3A_205 = arith.constant 0 : i32
      %dma_wait3A_206 = arith.constant 0 : i32
      %dma_wait3A_207 = tpu.memref_slice %arg6[%dma_wait3A_203, %dma_wait3A_205, %dma_wait3A_206] : memref<4x256x64xf32, #tpu.memory_space<vmem>> -> memref<1x256x64xf32, #tpu.memory_space<vmem>>
      %dma_wait3A_208 = tpu.memref_squeeze %dma_wait3A_207 : memref<1x256x64xf32, #tpu.memory_space<vmem>> -> memref<256x64xf32, #tpu.memory_space<vmem>>
      %dma_wait3A_209 = arith.constant 0 : i32
      %dma_wait3A_210 = arith.constant 0 : i32
      %dma_wait3A_211 = tpu.memref_slice %arg4[%dma_wait3A_209, %dma_wait3A_210] : memref<819200x64xf32, #tpu.memory_space<hbm>> -> memref<256x64xf32, #tpu.memory_space<hbm>>
      %dma_wait3A_212 = tpu.memref_slice %arg7[%dma_wait3A_204] : memref<4x!tpu.dma_semaphore, #tpu.memory_space<semaphore_mem>> -> memref<1x!tpu.dma_semaphore, #tpu.memory_space<semaphore_mem>>
      %dma_wait3A_213 = tpu.memref_squeeze %dma_wait3A_212 : memref<1x!tpu.dma_semaphore, #tpu.memory_space<semaphore_mem>> -> memref<!tpu.dma_semaphore, #tpu.memory_space<semaphore_mem>>
      %dma_wait3A_214 = arith.constant 0 : i32
      %dma_wait3A_215 = arith.constant 0 : i32
      %dma_wait3A_216 = tpu.memref_slice %arg6[%dma_wait3A_203, %dma_wait3A_214, %dma_wait3A_215] : memref<4x256x64xf32, #tpu.memory_space<vmem>> -> memref<1x256x64xf32, #tpu.memory_space<vmem>>
      %dma_wait3A_217 = tpu.memref_squeeze %dma_wait3A_216 : memref<1x256x64xf32, #tpu.memory_space<vmem>> -> memref<256x64xf32, #tpu.memory_space<vmem>>
      %dma_wait3A_218 = arith.constant 0 : i32
      %dma_wait3A_219 = arith.constant 0 : i32
      %dma_wait3A_220 = tpu.memref_slice %arg4[%dma_wait3A_218, %dma_wait3A_219] : memref<819200x64xf32, #tpu.memory_space<hbm>> -> memref<256x64xf32, #tpu.memory_space<hbm>>
      tpu.wait_dma2 semaphore(%dma_wait3A_213 : memref<!tpu.dma_semaphore, #tpu.memory_space<semaphore_mem>>) src(%dma_wait3A_220 : memref<256x64xf32, #tpu.memory_space<hbm>>) dst(%dma_wait3A_217 : memref<256x64xf32, #tpu.memory_space<vmem>>)
      %mul3A_221 = arith.constant 2 : i32
      %mul3A_222 = arith.muli %mul3A_221, %add3A_202 : i32
      %add3A_223 = arith.addi %mul3A_2, %mul3A_222 : i32
      %mul3A_224 = arith.constant 128 : i32
      %mul3A_225 = arith.muli %add3A_223, %mul3A_224 : i32
      %dma_start3A_226 = arith.constant 0 : i32
      %dma_start3A_227 = arith.constant 0 : i32
      %dma_start3A_228 = arith.constant 0 : i32
      %dma_start3A_229 = arith.constant 0 : i32
      %dma_start3A_230 = tpu.memref_slice %arg6[%dma_start3A_226, %dma_start3A_228, %dma_start3A_229] : memref<4x256x64xf32, #tpu.memory_space<vmem>> -> memref<1x256x64xf32, #tpu.memory_space<vmem>>
      %dma_start3A_231 = tpu.memref_squeeze %dma_start3A_230 : memref<1x256x64xf32, #tpu.memory_space<vmem>> -> memref<256x64xf32, #tpu.memory_space<vmem>>
      %dma_start3A_232 = arith.constant 0 : i32
      %dma_start3A_233 = tpu.memref_slice %arg4[%mul3A_225, %dma_start3A_232] : memref<819200x64xf32, #tpu.memory_space<hbm>> -> memref<256x64xf32, #tpu.memory_space<hbm>>
      %dma_start3A_234 = tpu.memref_slice %arg8[%dma_start3A_227] : memref<4x!tpu.dma_semaphore, #tpu.memory_space<semaphore_mem>> -> memref<1x!tpu.dma_semaphore, #tpu.memory_space<semaphore_mem>>
      %dma_start3A_235 = tpu.memref_squeeze %dma_start3A_234 : memref<1x!tpu.dma_semaphore, #tpu.memory_space<semaphore_mem>> -> memref<!tpu.dma_semaphore, #tpu.memory_space<semaphore_mem>>
      %dma_start3A_236 = arith.constant 0 : i32
      %dma_start3A_237 = tpu.memref_slice %arg4[%mul3A_225, %dma_start3A_236] : memref<819200x64xf32, #tpu.memory_space<hbm>> -> memref<256x64xf32, #tpu.memory_space<hbm>>
      %dma_start3A_238 = arith.constant 0 : i32
      %dma_start3A_239 = arith.constant 0 : i32
      %dma_start3A_240 = tpu.memref_slice %arg6[%dma_start3A_226, %dma_start3A_238, %dma_start3A_239] : memref<4x256x64xf32, #tpu.memory_space<vmem>> -> memref<1x256x64xf32, #tpu.memory_space<vmem>>
      %dma_start3A_241 = tpu.memref_squeeze %dma_start3A_240 : memref<1x256x64xf32, #tpu.memory_space<vmem>> -> memref<256x64xf32, #tpu.memory_space<vmem>>
      tpu.enqueue_dma source(%dma_start3A_241 : memref<256x64xf32, #tpu.memory_space<vmem>>) target(%dma_start3A_237 : memref<256x64xf32, #tpu.memory_space<hbm>>) target_semaphore(%dma_start3A_235 : memref<!tpu.dma_semaphore, #tpu.memory_space<semaphore_mem>>)
      %add3A_242 = arith.constant 4 : i32
      %add3A_243 = arith.addi %add3A_202, %add3A_242 : i32
      %lt3A = arith.constant 100 : i32
      %lt3A_244 = arith.cmpi slt, %add3A_243, %lt3A : i32
      %convert_element_type3A = arith.extui %lt3A_244 : i1 to i32
      %cond3A = arith.constant 0 : i32
      %cond3A_245 = arith.cmpi ne, %convert_element_type3A, %cond3A : i32
      scf.if %cond3A_245 {
        %dma_wait3A_390 = arith.constant 0 : i32
        %dma_wait3A_391 = arith.constant 0 : i32
        %dma_wait3A_392 = arith.constant 0 : i32
        %dma_wait3A_393 = arith.constant 0 : i32
        %dma_wait3A_394 = tpu.memref_slice %arg6[%dma_wait3A_390, %dma_wait3A_392, %dma_wait3A_393] : memref<4x256x64xf32, #tpu.memory_space<vmem>> -> memref<1x256x64xf32, #tpu.memory_space<vmem>>
        %dma_wait3A_395 = tpu.memref_squeeze %dma_wait3A_394 : memref<1x256x64xf32, #tpu.memory_space<vmem>> -> memref<256x64xf32, #tpu.memory_space<vmem>>
        %dma_wait3A_396 = arith.constant 0 : i32
        %dma_wait3A_397 = tpu.memref_slice %arg4[%mul3A_225, %dma_wait3A_396] : memref<819200x64xf32, #tpu.memory_space<hbm>> -> memref<256x64xf32, #tpu.memory_space<hbm>>
        %dma_wait3A_398 = tpu.memref_slice %arg8[%dma_wait3A_391] : memref<4x!tpu.dma_semaphore, #tpu.memory_space<semaphore_mem>> -> memref<1x!tpu.dma_semaphore, #tpu.memory_space<semaphore_mem>>
        %dma_wait3A_399 = tpu.memref_squeeze %dma_wait3A_398 : memref<1x!tpu.dma_semaphore, #tpu.memory_space<semaphore_mem>> -> memref<!tpu.dma_semaphore, #tpu.memory_space<semaphore_mem>>
        %dma_wait3A_400 = arith.constant 0 : i32
        %dma_wait3A_401 = tpu.memref_slice %arg4[%mul3A_225, %dma_wait3A_400] : memref<819200x64xf32, #tpu.memory_space<hbm>> -> memref<256x64xf32, #tpu.memory_space<hbm>>
        %dma_wait3A_402 = arith.constant 0 : i32
        %dma_wait3A_403 = arith.constant 0 : i32
        %dma_wait3A_404 = tpu.memref_slice %arg6[%dma_wait3A_390, %dma_wait3A_402, %dma_wait3A_403] : memref<4x256x64xf32, #tpu.memory_space<vmem>> -> memref<1x256x64xf32, #tpu.memory_space<vmem>>
        %dma_wait3A_405 = tpu.memref_squeeze %dma_wait3A_404 : memref<1x256x64xf32, #tpu.memory_space<vmem>> -> memref<256x64xf32, #tpu.memory_space<vmem>>
        tpu.wait_dma2 semaphore(%dma_wait3A_399 : memref<!tpu.dma_semaphore, #tpu.memory_space<semaphore_mem>>) src(%dma_wait3A_405 : memref<256x64xf32, #tpu.memory_space<vmem>>) dst(%dma_wait3A_401 : memref<256x64xf32, #tpu.memory_space<hbm>>)
        %add3A_406 = arith.constant 4 : i32
        %add3A_407 = arith.addi %add3A_202, %add3A_406 : i32
        %mul3A_408 = arith.constant 2 : i32
        %mul3A_409 = arith.muli %mul3A_408, %add3A_407 : i32
        %dma_start3A_410 = arith.constant 0 : i32
        %dma_start3A_411 = arith.constant 0 : i32
        %dma_start3A_412 = arith.constant 0 : i32
        %dma_start3A_413 = arith.constant 0 : i32
        %dma_start3A_414 = tpu.memref_slice %arg6[%dma_start3A_410, %dma_start3A_412, %dma_start3A_413] : memref<4x256x64xf32, #tpu.memory_space<vmem>> -> memref<1x128x64xf32, #tpu.memory_space<vmem>>
        %dma_start3A_415 = tpu.memref_squeeze %dma_start3A_414 : memref<1x128x64xf32, #tpu.memory_space<vmem>> -> memref<128x64xf32, #tpu.memory_space<vmem>>
        %dma_start3A_416 = arith.constant 0 : i32
        %dma_start3A_417 = tpu.memref_slice %arg5[%mul3A_409, %dma_start3A_416] : memref<200x128xi32, #tpu.memory_space<vmem>> -> memref<1x128xi32, #tpu.memory_space<vmem>>
        %dma_start3A_418 = tpu.memref_squeeze %dma_start3A_417 : memref<1x128xi32, #tpu.memory_space<vmem>> -> memref<128xi32, #tpu.memory_space<vmem>>
        %dma_start3A_419 = arith.constant 0 : i32
        %dma_start3A_420 = arith.constant 0 : i32
        %dma_start3A_421 = tpu.memref_slice %arg3[%dma_start3A_419, %dma_start3A_420] : memref<1000000x64xf32, #tpu.memory_space<hbm>> -> memref<1000000x64xf32, #tpu.memory_space<hbm>>
        %dma_start3A_422 = tpu.memref_slice %arg7[%dma_start3A_411] : memref<4x!tpu.dma_semaphore, #tpu.memory_space<semaphore_mem>> -> memref<1x!tpu.dma_semaphore, #tpu.memory_space<semaphore_mem>>
        %dma_start3A_423 = tpu.memref_squeeze %dma_start3A_422 : memref<1x!tpu.dma_semaphore, #tpu.memory_space<semaphore_mem>> -> memref<!tpu.dma_semaphore, #tpu.memory_space<semaphore_mem>>
        tpu.enqueue_indirect_dma source(%dma_start3A_421 : memref<1000000x64xf32, #tpu.memory_space<hbm>>) target(%dma_start3A_415 : memref<128x64xf32, #tpu.memory_space<vmem>>) offsets(%dma_start3A_418 : memref<128xi32, #tpu.memory_space<vmem>>) semaphore(%dma_start3A_423 : memref<!tpu.dma_semaphore, #tpu.memory_space<semaphore_mem>>)
        %mul3A_424 = arith.constant 2 : i32
        %mul3A_425 = arith.muli %mul3A_424, %add3A_407 : i32
        %add3A_426 = arith.constant 1 : i32
        %add3A_427 = arith.addi %mul3A_425, %add3A_426 : i32
        %dma_start3A_428 = arith.constant 0 : i32
        %dma_start3A_429 = arith.constant 0 : i32
        %dma_start3A_430 = arith.constant 128 : i32
        %dma_start3A_431 = arith.constant 0 : i32
        %dma_start3A_432 = tpu.memref_slice %arg6[%dma_start3A_428, %dma_start3A_430, %dma_start3A_431] : memref<4x256x64xf32, #tpu.memory_space<vmem>> -> memref<1x128x64xf32, #tpu.memory_space<vmem>>
        %dma_start3A_433 = tpu.memref_squeeze %dma_start3A_432 : memref<1x128x64xf32, #tpu.memory_space<vmem>> -> memref<128x64xf32, #tpu.memory_space<vmem>>
        %dma_start3A_434 = arith.constant 0 : i32
        %dma_start3A_435 = tpu.memref_slice %arg5[%add3A_427, %dma_start3A_434] : memref<200x128xi32, #tpu.memory_space<vmem>> -> memref<1x128xi32, #tpu.memory_space<vmem>>
        %dma_start3A_436 = tpu.memref_squeeze %dma_start3A_435 : memref<1x128xi32, #tpu.memory_space<vmem>> -> memref<128xi32, #tpu.memory_space<vmem>>
        %dma_start3A_437 = arith.constant 0 : i32
        %dma_start3A_438 = arith.constant 0 : i32
        %dma_start3A_439 = tpu.memref_slice %arg3[%dma_start3A_437, %dma_start3A_438] : memref<1000000x64xf32, #tpu.memory_space<hbm>> -> memref<1000000x64xf32, #tpu.memory_space<hbm>>
        %dma_start3A_440 = tpu.memref_slice %arg7[%dma_start3A_429] : memref<4x!tpu.dma_semaphore, #tpu.memory_space<semaphore_mem>> -> memref<1x!tpu.dma_semaphore, #tpu.memory_space<semaphore_mem>>
        %dma_start3A_441 = tpu.memref_squeeze %dma_start3A_440 : memref<1x!tpu.dma_semaphore, #tpu.memory_space<semaphore_mem>> -> memref<!tpu.dma_semaphore, #tpu.memory_space<semaphore_mem>>
        tpu.enqueue_indirect_dma source(%dma_start3A_439 : memref<1000000x64xf32, #tpu.memory_space<hbm>>) target(%dma_start3A_433 : memref<128x64xf32, #tpu.memory_space<vmem>>) offsets(%dma_start3A_436 : memref<128xi32, #tpu.memory_space<vmem>>) semaphore(%dma_start3A_441 : memref<!tpu.dma_semaphore, #tpu.memory_space<semaphore_mem>>)
      } else {
      }
      %add3A_246 = arith.constant 1 : i32
      %add3A_247 = arith.addi %mul3A_200, %add3A_246 : i32
      %dma_wait3A_248 = arith.constant 1 : i32
      %dma_wait3A_249 = arith.constant 1 : i32
      %dma_wait3A_250 = arith.constant 0 : i32
      %dma_wait3A_251 = arith.constant 0 : i32
      %dma_wait3A_252 = tpu.memref_slice %arg6[%dma_wait3A_248, %dma_wait3A_250, %dma_wait3A_251] : memref<4x256x64xf32, #tpu.memory_space<vmem>> -> memref<1x256x64xf32, #tpu.memory_space<vmem>>
      %dma_wait3A_253 = tpu.memref_squeeze %dma_wait3A_252 : memref<1x256x64xf32, #tpu.memory_space<vmem>> -> memref<256x64xf32, #tpu.memory_space<vmem>>
      %dma_wait3A_254 = arith.constant 0 : i32
      %dma_wait3A_255 = arith.constant 0 : i32
      %dma_wait3A_256 = tpu.memref_slice %arg4[%dma_wait3A_254, %dma_wait3A_255] : memref<819200x64xf32, #tpu.memory_space<hbm>> -> memref<256x64xf32, #tpu.memory_space<hbm>>
      %dma_wait3A_257 = tpu.memref_slice %arg7[%dma_wait3A_249] : memref<4x!tpu.dma_semaphore, #tpu.memory_space<semaphore_mem>> -> memref<1x!tpu.dma_semaphore, #tpu.memory_space<semaphore_mem>>
      %dma_wait3A_258 = tpu.memref_squeeze %dma_wait3A_257 : memref<1x!tpu.dma_semaphore, #tpu.memory_space<semaphore_mem>> -> memref<!tpu.dma_semaphore, #tpu.memory_space<semaphore_mem>>
      %dma_wait3A_259 = arith.constant 0 : i32
      %dma_wait3A_260 = arith.constant 0 : i32
      %dma_wait3A_261 = tpu.memref_slice %arg6[%dma_wait3A_248, %dma_wait3A_259, %dma_wait3A_260] : memref<4x256x64xf32, #tpu.memory_space<vmem>> -> memref<1x256x64xf32, #tpu.memory_space<vmem>>
      %dma_wait3A_262 = tpu.memref_squeeze %dma_wait3A_261 : memref<1x256x64xf32, #tpu.memory_space<vmem>> -> memref<256x64xf32, #tpu.memory_space<vmem>>
      %dma_wait3A_263 = arith.constant 0 : i32
      %dma_wait3A_264 = arith.constant 0 : i32
      %dma_wait3A_265 = tpu.memref_slice %arg4[%dma_wait3A_263, %dma_wait3A_264] : memref<819200x64xf32, #tpu.memory_space<hbm>> -> memref<256x64xf32, #tpu.memory_space<hbm>>
      tpu.wait_dma2 semaphore(%dma_wait3A_258 : memref<!tpu.dma_semaphore, #tpu.memory_space<semaphore_mem>>) src(%dma_wait3A_265 : memref<256x64xf32, #tpu.memory_space<hbm>>) dst(%dma_wait3A_262 : memref<256x64xf32, #tpu.memory_space<vmem>>)
      %mul3A_266 = arith.constant 2 : i32
      %mul3A_267 = arith.muli %mul3A_266, %add3A_247 : i32
      %add3A_268 = arith.addi %mul3A_2, %mul3A_267 : i32
      %mul3A_269 = arith.constant 128 : i32
      %mul3A_270 = arith.muli %add3A_268, %mul3A_269 : i32
      %dma_start3A_271 = arith.constant 1 : i32
      %dma_start3A_272 = arith.constant 1 : i32
      %dma_start3A_273 = arith.constant 0 : i32
      %dma_start3A_274 = arith.constant 0 : i32
      %dma_start3A_275 = tpu.memref_slice %arg6[%dma_start3A_271, %dma_start3A_273, %dma_start3A_274] : memref<4x256x64xf32, #tpu.memory_space<vmem>> -> memref<1x256x64xf32, #tpu.memory_space<vmem>>
      %dma_start3A_276 = tpu.memref_squeeze %dma_start3A_275 : memref<1x256x64xf32, #tpu.memory_space<vmem>> -> memref<256x64xf32, #tpu.memory_space<vmem>>
      %dma_start3A_277 = arith.constant 0 : i32
      %dma_start3A_278 = tpu.memref_slice %arg4[%mul3A_270, %dma_start3A_277] : memref<819200x64xf32, #tpu.memory_space<hbm>> -> memref<256x64xf32, #tpu.memory_space<hbm>>
      %dma_start3A_279 = tpu.memref_slice %arg8[%dma_start3A_272] : memref<4x!tpu.dma_semaphore, #tpu.memory_space<semaphore_mem>> -> memref<1x!tpu.dma_semaphore, #tpu.memory_space<semaphore_mem>>
      %dma_start3A_280 = tpu.memref_squeeze %dma_start3A_279 : memref<1x!tpu.dma_semaphore, #tpu.memory_space<semaphore_mem>> -> memref<!tpu.dma_semaphore, #tpu.memory_space<semaphore_mem>>
      %dma_start3A_281 = arith.constant 0 : i32
      %dma_start3A_282 = tpu.memref_slice %arg4[%mul3A_270, %dma_start3A_281] : memref<819200x64xf32, #tpu.memory_space<hbm>> -> memref<256x64xf32, #tpu.memory_space<hbm>>
      %dma_start3A_283 = arith.constant 0 : i32
      %dma_start3A_284 = arith.constant 0 : i32
      %dma_start3A_285 = tpu.memref_slice %arg6[%dma_start3A_271, %dma_start3A_283, %dma_start3A_284] : memref<4x256x64xf32, #tpu.memory_space<vmem>> -> memref<1x256x64xf32, #tpu.memory_space<vmem>>
      %dma_start3A_286 = tpu.memref_squeeze %dma_start3A_285 : memref<1x256x64xf32, #tpu.memory_space<vmem>> -> memref<256x64xf32, #tpu.memory_space<vmem>>
      tpu.enqueue_dma source(%dma_start3A_286 : memref<256x64xf32, #tpu.memory_space<vmem>>) target(%dma_start3A_282 : memref<256x64xf32, #tpu.memory_space<hbm>>) target_semaphore(%dma_start3A_280 : memref<!tpu.dma_semaphore, #tpu.memory_space<semaphore_mem>>)
      %add3A_287 = arith.constant 4 : i32
      %add3A_288 = arith.addi %add3A_247, %add3A_287 : i32
      %lt3A_289 = arith.constant 100 : i32
      %lt3A_290 = arith.cmpi slt, %add3A_288, %lt3A_289 : i32
      %convert_element_type3A_291 = arith.extui %lt3A_290 : i1 to i32
      %cond3A_292 = arith.constant 0 : i32
      %cond3A_293 = arith.cmpi ne, %convert_element_type3A_291, %cond3A_292 : i32
      scf.if %cond3A_293 {
        %dma_wait3A_390 = arith.constant 1 : i32
        %dma_wait3A_391 = arith.constant 1 : i32
        %dma_wait3A_392 = arith.constant 0 : i32
        %dma_wait3A_393 = arith.constant 0 : i32
        %dma_wait3A_394 = tpu.memref_slice %arg6[%dma_wait3A_390, %dma_wait3A_392, %dma_wait3A_393] : memref<4x256x64xf32, #tpu.memory_space<vmem>> -> memref<1x256x64xf32, #tpu.memory_space<vmem>>
        %dma_wait3A_395 = tpu.memref_squeeze %dma_wait3A_394 : memref<1x256x64xf32, #tpu.memory_space<vmem>> -> memref<256x64xf32, #tpu.memory_space<vmem>>
        %dma_wait3A_396 = arith.constant 0 : i32
        %dma_wait3A_397 = tpu.memref_slice %arg4[%mul3A_270, %dma_wait3A_396] : memref<819200x64xf32, #tpu.memory_space<hbm>> -> memref<256x64xf32, #tpu.memory_space<hbm>>
        %dma_wait3A_398 = tpu.memref_slice %arg8[%dma_wait3A_391] : memref<4x!tpu.dma_semaphore, #tpu.memory_space<semaphore_mem>> -> memref<1x!tpu.dma_semaphore, #tpu.memory_space<semaphore_mem>>
        %dma_wait3A_399 = tpu.memref_squeeze %dma_wait3A_398 : memref<1x!tpu.dma_semaphore, #tpu.memory_space<semaphore_mem>> -> memref<!tpu.dma_semaphore, #tpu.memory_space<semaphore_mem>>
        %dma_wait3A_400 = arith.constant 0 : i32
        %dma_wait3A_401 = tpu.memref_slice %arg4[%mul3A_270, %dma_wait3A_400] : memref<819200x64xf32, #tpu.memory_space<hbm>> -> memref<256x64xf32, #tpu.memory_space<hbm>>
        %dma_wait3A_402 = arith.constant 0 : i32
        %dma_wait3A_403 = arith.constant 0 : i32
        %dma_wait3A_404 = tpu.memref_slice %arg6[%dma_wait3A_390, %dma_wait3A_402, %dma_wait3A_403] : memref<4x256x64xf32, #tpu.memory_space<vmem>> -> memref<1x256x64xf32, #tpu.memory_space<vmem>>
        %dma_wait3A_405 = tpu.memref_squeeze %dma_wait3A_404 : memref<1x256x64xf32, #tpu.memory_space<vmem>> -> memref<256x64xf32, #tpu.memory_space<vmem>>
        tpu.wait_dma2 semaphore(%dma_wait3A_399 : memref<!tpu.dma_semaphore, #tpu.memory_space<semaphore_mem>>) src(%dma_wait3A_405 : memref<256x64xf32, #tpu.memory_space<vmem>>) dst(%dma_wait3A_401 : memref<256x64xf32, #tpu.memory_space<hbm>>)
        %add3A_406 = arith.constant 4 : i32
        %add3A_407 = arith.addi %add3A_247, %add3A_406 : i32
        %mul3A_408 = arith.constant 2 : i32
        %mul3A_409 = arith.muli %mul3A_408, %add3A_407 : i32
        %dma_start3A_410 = arith.constant 1 : i32
        %dma_start3A_411 = arith.constant 1 : i32
        %dma_start3A_412 = arith.constant 0 : i32
        %dma_start3A_413 = arith.constant 0 : i32
        %dma_start3A_414 = tpu.memref_slice %arg6[%dma_start3A_410, %dma_start3A_412, %dma_start3A_413] : memref<4x256x64xf32, #tpu.memory_space<vmem>> -> memref<1x128x64xf32, #tpu.memory_space<vmem>>
        %dma_start3A_415 = tpu.memref_squeeze %dma_start3A_414 : memref<1x128x64xf32, #tpu.memory_space<vmem>> -> memref<128x64xf32, #tpu.memory_space<vmem>>
        %dma_start3A_416 = arith.constant 0 : i32
        %dma_start3A_417 = tpu.memref_slice %arg5[%mul3A_409, %dma_start3A_416] : memref<200x128xi32, #tpu.memory_space<vmem>> -> memref<1x128xi32, #tpu.memory_space<vmem>>
        %dma_start3A_418 = tpu.memref_squeeze %dma_start3A_417 : memref<1x128xi32, #tpu.memory_space<vmem>> -> memref<128xi32, #tpu.memory_space<vmem>>
        %dma_start3A_419 = arith.constant 0 : i32
        %dma_start3A_420 = arith.constant 0 : i32
        %dma_start3A_421 = tpu.memref_slice %arg3[%dma_start3A_419, %dma_start3A_420] : memref<1000000x64xf32, #tpu.memory_space<hbm>> -> memref<1000000x64xf32, #tpu.memory_space<hbm>>
        %dma_start3A_422 = tpu.memref_slice %arg7[%dma_start3A_411] : memref<4x!tpu.dma_semaphore, #tpu.memory_space<semaphore_mem>> -> memref<1x!tpu.dma_semaphore, #tpu.memory_space<semaphore_mem>>
        %dma_start3A_423 = tpu.memref_squeeze %dma_start3A_422 : memref<1x!tpu.dma_semaphore, #tpu.memory_space<semaphore_mem>> -> memref<!tpu.dma_semaphore, #tpu.memory_space<semaphore_mem>>
        tpu.enqueue_indirect_dma source(%dma_start3A_421 : memref<1000000x64xf32, #tpu.memory_space<hbm>>) target(%dma_start3A_415 : memref<128x64xf32, #tpu.memory_space<vmem>>) offsets(%dma_start3A_418 : memref<128xi32, #tpu.memory_space<vmem>>) semaphore(%dma_start3A_423 : memref<!tpu.dma_semaphore, #tpu.memory_space<semaphore_mem>>)
        %mul3A_424 = arith.constant 2 : i32
        %mul3A_425 = arith.muli %mul3A_424, %add3A_407 : i32
        %add3A_426 = arith.constant 1 : i32
        %add3A_427 = arith.addi %mul3A_425, %add3A_426 : i32
        %dma_start3A_428 = arith.constant 1 : i32
        %dma_start3A_429 = arith.constant 1 : i32
        %dma_start3A_430 = arith.constant 128 : i32
        %dma_start3A_431 = arith.constant 0 : i32
        %dma_start3A_432 = tpu.memref_slice %arg6[%dma_start3A_428, %dma_start3A_430, %dma_start3A_431] : memref<4x256x64xf32, #tpu.memory_space<vmem>> -> memref<1x128x64xf32, #tpu.memory_space<vmem>>
        %dma_start3A_433 = tpu.memref_squeeze %dma_start3A_432 : memref<1x128x64xf32, #tpu.memory_space<vmem>> -> memref<128x64xf32, #tpu.memory_space<vmem>>
        %dma_start3A_434 = arith.constant 0 : i32
        %dma_start3A_435 = tpu.memref_slice %arg5[%add3A_427, %dma_start3A_434] : memref<200x128xi32, #tpu.memory_space<vmem>> -> memref<1x128xi32, #tpu.memory_space<vmem>>
        %dma_start3A_436 = tpu.memref_squeeze %dma_start3A_435 : memref<1x128xi32, #tpu.memory_space<vmem>> -> memref<128xi32, #tpu.memory_space<vmem>>
        %dma_start3A_437 = arith.constant 0 : i32
        %dma_start3A_438 = arith.constant 0 : i32
        %dma_start3A_439 = tpu.memref_slice %arg3[%dma_start3A_437, %dma_start3A_438] : memref<1000000x64xf32, #tpu.memory_space<hbm>> -> memref<1000000x64xf32, #tpu.memory_space<hbm>>
        %dma_start3A_440 = tpu.memref_slice %arg7[%dma_start3A_429] : memref<4x!tpu.dma_semaphore, #tpu.memory_space<semaphore_mem>> -> memref<1x!tpu.dma_semaphore, #tpu.memory_space<semaphore_mem>>
        %dma_start3A_441 = tpu.memref_squeeze %dma_start3A_440 : memref<1x!tpu.dma_semaphore, #tpu.memory_space<semaphore_mem>> -> memref<!tpu.dma_semaphore, #tpu.memory_space<semaphore_mem>>
        tpu.enqueue_indirect_dma source(%dma_start3A_439 : memref<1000000x64xf32, #tpu.memory_space<hbm>>) target(%dma_start3A_433 : memref<128x64xf32, #tpu.memory_space<vmem>>) offsets(%dma_start3A_436 : memref<128xi32, #tpu.memory_space<vmem>>) semaphore(%dma_start3A_441 : memref<!tpu.dma_semaphore, #tpu.memory_space<semaphore_mem>>)
      } else {
      }
      %add3A_294 = arith.constant 2 : i32
      %add3A_295 = arith.addi %mul3A_200, %add3A_294 : i32
      %dma_wait3A_296 = arith.constant 2 : i32
      %dma_wait3A_297 = arith.constant 2 : i32
      %dma_wait3A_298 = arith.constant 0 : i32
      %dma_wait3A_299 = arith.constant 0 : i32
      %dma_wait3A_300 = tpu.memref_slice %arg6[%dma_wait3A_296, %dma_wait3A_298, %dma_wait3A_299] : memref<4x256x64xf32, #tpu.memory_space<vmem>> -> memref<1x256x64xf32, #tpu.memory_space<vmem>>
      %dma_wait3A_301 = tpu.memref_squeeze %dma_wait3A_300 : memref<1x256x64xf32, #tpu.memory_space<vmem>> -> memref<256x64xf32, #tpu.memory_space<vmem>>
      %dma_wait3A_302 = arith.constant 0 : i32
      %dma_wait3A_303 = arith.constant 0 : i32
      %dma_wait3A_304 = tpu.memref_slice %arg4[%dma_wait3A_302, %dma_wait3A_303] : memref<819200x64xf32, #tpu.memory_space<hbm>> -> memref<256x64xf32, #tpu.memory_space<hbm>>
      %dma_wait3A_305 = tpu.memref_slice %arg7[%dma_wait3A_297] : memref<4x!tpu.dma_semaphore, #tpu.memory_space<semaphore_mem>> -> memref<1x!tpu.dma_semaphore, #tpu.memory_space<semaphore_mem>>
      %dma_wait3A_306 = tpu.memref_squeeze %dma_wait3A_305 : memref<1x!tpu.dma_semaphore, #tpu.memory_space<semaphore_mem>> -> memref<!tpu.dma_semaphore, #tpu.memory_space<semaphore_mem>>
      %dma_wait3A_307 = arith.constant 0 : i32
      %dma_wait3A_308 = arith.constant 0 : i32
      %dma_wait3A_309 = tpu.memref_slice %arg6[%dma_wait3A_296, %dma_wait3A_307, %dma_wait3A_308] : memref<4x256x64xf32, #tpu.memory_space<vmem>> -> memref<1x256x64xf32, #tpu.memory_space<vmem>>
      %dma_wait3A_310 = tpu.memref_squeeze %dma_wait3A_309 : memref<1x256x64xf32, #tpu.memory_space<vmem>> -> memref<256x64xf32, #tpu.memory_space<vmem>>
      %dma_wait3A_311 = arith.constant 0 : i32
      %dma_wait3A_312 = arith.constant 0 : i32
      %dma_wait3A_313 = tpu.memref_slice %arg4[%dma_wait3A_311, %dma_wait3A_312] : memref<819200x64xf32, #tpu.memory_space<hbm>> -> memref<256x64xf32, #tpu.memory_space<hbm>>
      tpu.wait_dma2 semaphore(%dma_wait3A_306 : memref<!tpu.dma_semaphore, #tpu.memory_space<semaphore_mem>>) src(%dma_wait3A_313 : memref<256x64xf32, #tpu.memory_space<hbm>>) dst(%dma_wait3A_310 : memref<256x64xf32, #tpu.memory_space<vmem>>)
      %mul3A_314 = arith.constant 2 : i32
      %mul3A_315 = arith.muli %mul3A_314, %add3A_295 : i32
      %add3A_316 = arith.addi %mul3A_2, %mul3A_315 : i32
      %mul3A_317 = arith.constant 128 : i32
      %mul3A_318 = arith.muli %add3A_316, %mul3A_317 : i32
      %dma_start3A_319 = arith.constant 2 : i32
      %dma_start3A_320 = arith.constant 2 : i32
      %dma_start3A_321 = arith.constant 0 : i32
      %dma_start3A_322 = arith.constant 0 : i32
      %dma_start3A_323 = tpu.memref_slice %arg6[%dma_start3A_319, %dma_start3A_321, %dma_start3A_322] : memref<4x256x64xf32, #tpu.memory_space<vmem>> -> memref<1x256x64xf32, #tpu.memory_space<vmem>>
      %dma_start3A_324 = tpu.memref_squeeze %dma_start3A_323 : memref<1x256x64xf32, #tpu.memory_space<vmem>> -> memref<256x64xf32, #tpu.memory_space<vmem>>
      %dma_start3A_325 = arith.constant 0 : i32
      %dma_start3A_326 = tpu.memref_slice %arg4[%mul3A_318, %dma_start3A_325] : memref<819200x64xf32, #tpu.memory_space<hbm>> -> memref<256x64xf32, #tpu.memory_space<hbm>>
      %dma_start3A_327 = tpu.memref_slice %arg8[%dma_start3A_320] : memref<4x!tpu.dma_semaphore, #tpu.memory_space<semaphore_mem>> -> memref<1x!tpu.dma_semaphore, #tpu.memory_space<semaphore_mem>>
      %dma_start3A_328 = tpu.memref_squeeze %dma_start3A_327 : memref<1x!tpu.dma_semaphore, #tpu.memory_space<semaphore_mem>> -> memref<!tpu.dma_semaphore, #tpu.memory_space<semaphore_mem>>
      %dma_start3A_329 = arith.constant 0 : i32
      %dma_start3A_330 = tpu.memref_slice %arg4[%mul3A_318, %dma_start3A_329] : memref<819200x64xf32, #tpu.memory_space<hbm>> -> memref<256x64xf32, #tpu.memory_space<hbm>>
      %dma_start3A_331 = arith.constant 0 : i32
      %dma_start3A_332 = arith.constant 0 : i32
      %dma_start3A_333 = tpu.memref_slice %arg6[%dma_start3A_319, %dma_start3A_331, %dma_start3A_332] : memref<4x256x64xf32, #tpu.memory_space<vmem>> -> memref<1x256x64xf32, #tpu.memory_space<vmem>>
      %dma_start3A_334 = tpu.memref_squeeze %dma_start3A_333 : memref<1x256x64xf32, #tpu.memory_space<vmem>> -> memref<256x64xf32, #tpu.memory_space<vmem>>
      tpu.enqueue_dma source(%dma_start3A_334 : memref<256x64xf32, #tpu.memory_space<vmem>>) target(%dma_start3A_330 : memref<256x64xf32, #tpu.memory_space<hbm>>) target_semaphore(%dma_start3A_328 : memref<!tpu.dma_semaphore, #tpu.memory_space<semaphore_mem>>)
      %add3A_335 = arith.constant 4 : i32
      %add3A_336 = arith.addi %add3A_295, %add3A_335 : i32
      %lt3A_337 = arith.constant 100 : i32
      %lt3A_338 = arith.cmpi slt, %add3A_336, %lt3A_337 : i32
      %convert_element_type3A_339 = arith.extui %lt3A_338 : i1 to i32
      %cond3A_340 = arith.constant 0 : i32
      %cond3A_341 = arith.cmpi ne, %convert_element_type3A_339, %cond3A_340 : i32
      scf.if %cond3A_341 {
        %dma_wait3A_390 = arith.constant 2 : i32
        %dma_wait3A_391 = arith.constant 2 : i32
        %dma_wait3A_392 = arith.constant 0 : i32
        %dma_wait3A_393 = arith.constant 0 : i32
        %dma_wait3A_394 = tpu.memref_slice %arg6[%dma_wait3A_390, %dma_wait3A_392, %dma_wait3A_393] : memref<4x256x64xf32, #tpu.memory_space<vmem>> -> memref<1x256x64xf32, #tpu.memory_space<vmem>>
        %dma_wait3A_395 = tpu.memref_squeeze %dma_wait3A_394 : memref<1x256x64xf32, #tpu.memory_space<vmem>> -> memref<256x64xf32, #tpu.memory_space<vmem>>
        %dma_wait3A_396 = arith.constant 0 : i32
        %dma_wait3A_397 = tpu.memref_slice %arg4[%mul3A_318, %dma_wait3A_396] : memref<819200x64xf32, #tpu.memory_space<hbm>> -> memref<256x64xf32, #tpu.memory_space<hbm>>
        %dma_wait3A_398 = tpu.memref_slice %arg8[%dma_wait3A_391] : memref<4x!tpu.dma_semaphore, #tpu.memory_space<semaphore_mem>> -> memref<1x!tpu.dma_semaphore, #tpu.memory_space<semaphore_mem>>
        %dma_wait3A_399 = tpu.memref_squeeze %dma_wait3A_398 : memref<1x!tpu.dma_semaphore, #tpu.memory_space<semaphore_mem>> -> memref<!tpu.dma_semaphore, #tpu.memory_space<semaphore_mem>>
        %dma_wait3A_400 = arith.constant 0 : i32
        %dma_wait3A_401 = tpu.memref_slice %arg4[%mul3A_318, %dma_wait3A_400] : memref<819200x64xf32, #tpu.memory_space<hbm>> -> memref<256x64xf32, #tpu.memory_space<hbm>>
        %dma_wait3A_402 = arith.constant 0 : i32
        %dma_wait3A_403 = arith.constant 0 : i32
        %dma_wait3A_404 = tpu.memref_slice %arg6[%dma_wait3A_390, %dma_wait3A_402, %dma_wait3A_403] : memref<4x256x64xf32, #tpu.memory_space<vmem>> -> memref<1x256x64xf32, #tpu.memory_space<vmem>>
        %dma_wait3A_405 = tpu.memref_squeeze %dma_wait3A_404 : memref<1x256x64xf32, #tpu.memory_space<vmem>> -> memref<256x64xf32, #tpu.memory_space<vmem>>
        tpu.wait_dma2 semaphore(%dma_wait3A_399 : memref<!tpu.dma_semaphore, #tpu.memory_space<semaphore_mem>>) src(%dma_wait3A_405 : memref<256x64xf32, #tpu.memory_space<vmem>>) dst(%dma_wait3A_401 : memref<256x64xf32, #tpu.memory_space<hbm>>)
        %add3A_406 = arith.constant 4 : i32
        %add3A_407 = arith.addi %add3A_295, %add3A_406 : i32
        %mul3A_408 = arith.constant 2 : i32
        %mul3A_409 = arith.muli %mul3A_408, %add3A_407 : i32
        %dma_start3A_410 = arith.constant 2 : i32
        %dma_start3A_411 = arith.constant 2 : i32
        %dma_start3A_412 = arith.constant 0 : i32
        %dma_start3A_413 = arith.constant 0 : i32
        %dma_start3A_414 = tpu.memref_slice %arg6[%dma_start3A_410, %dma_start3A_412, %dma_start3A_413] : memref<4x256x64xf32, #tpu.memory_space<vmem>> -> memref<1x128x64xf32, #tpu.memory_space<vmem>>
        %dma_start3A_415 = tpu.memref_squeeze %dma_start3A_414 : memref<1x128x64xf32, #tpu.memory_space<vmem>> -> memref<128x64xf32, #tpu.memory_space<vmem>>
        %dma_start3A_416 = arith.constant 0 : i32
        %dma_start3A_417 = tpu.memref_slice %arg5[%mul3A_409, %dma_start3A_416] : memref<200x128xi32, #tpu.memory_space<vmem>> -> memref<1x128xi32, #tpu.memory_space<vmem>>
        %dma_start3A_418 = tpu.memref_squeeze %dma_start3A_417 : memref<1x128xi32, #tpu.memory_space<vmem>> -> memref<128xi32, #tpu.memory_space<vmem>>
        %dma_start3A_419 = arith.constant 0 : i32
        %dma_start3A_420 = arith.constant 0 : i32
        %dma_start3A_421 = tpu.memref_slice %arg3[%dma_start3A_419, %dma_start3A_420] : memref<1000000x64xf32, #tpu.memory_space<hbm>> -> memref<1000000x64xf32, #tpu.memory_space<hbm>>
        %dma_start3A_422 = tpu.memref_slice %arg7[%dma_start3A_411] : memref<4x!tpu.dma_semaphore, #tpu.memory_space<semaphore_mem>> -> memref<1x!tpu.dma_semaphore, #tpu.memory_space<semaphore_mem>>
        %dma_start3A_423 = tpu.memref_squeeze %dma_start3A_422 : memref<1x!tpu.dma_semaphore, #tpu.memory_space<semaphore_mem>> -> memref<!tpu.dma_semaphore, #tpu.memory_space<semaphore_mem>>
        tpu.enqueue_indirect_dma source(%dma_start3A_421 : memref<1000000x64xf32, #tpu.memory_space<hbm>>) target(%dma_start3A_415 : memref<128x64xf32, #tpu.memory_space<vmem>>) offsets(%dma_start3A_418 : memref<128xi32, #tpu.memory_space<vmem>>) semaphore(%dma_start3A_423 : memref<!tpu.dma_semaphore, #tpu.memory_space<semaphore_mem>>)
        %mul3A_424 = arith.constant 2 : i32
        %mul3A_425 = arith.muli %mul3A_424, %add3A_407 : i32
        %add3A_426 = arith.constant 1 : i32
        %add3A_427 = arith.addi %mul3A_425, %add3A_426 : i32
        %dma_start3A_428 = arith.constant 2 : i32
        %dma_start3A_429 = arith.constant 2 : i32
        %dma_start3A_430 = arith.constant 128 : i32
        %dma_start3A_431 = arith.constant 0 : i32
        %dma_start3A_432 = tpu.memref_slice %arg6[%dma_start3A_428, %dma_start3A_430, %dma_start3A_431] : memref<4x256x64xf32, #tpu.memory_space<vmem>> -> memref<1x128x64xf32, #tpu.memory_space<vmem>>
        %dma_start3A_433 = tpu.memref_squeeze %dma_start3A_432 : memref<1x128x64xf32, #tpu.memory_space<vmem>> -> memref<128x64xf32, #tpu.memory_space<vmem>>
        %dma_start3A_434 = arith.constant 0 : i32
        %dma_start3A_435 = tpu.memref_slice %arg5[%add3A_427, %dma_start3A_434] : memref<200x128xi32, #tpu.memory_space<vmem>> -> memref<1x128xi32, #tpu.memory_space<vmem>>
        %dma_start3A_436 = tpu.memref_squeeze %dma_start3A_435 : memref<1x128xi32, #tpu.memory_space<vmem>> -> memref<128xi32, #tpu.memory_space<vmem>>
        %dma_start3A_437 = arith.constant 0 : i32
        %dma_start3A_438 = arith.constant 0 : i32
        %dma_start3A_439 = tpu.memref_slice %arg3[%dma_start3A_437, %dma_start3A_438] : memref<1000000x64xf32, #tpu.memory_space<hbm>> -> memref<1000000x64xf32, #tpu.memory_space<hbm>>
        %dma_start3A_440 = tpu.memref_slice %arg7[%dma_start3A_429] : memref<4x!tpu.dma_semaphore, #tpu.memory_space<semaphore_mem>> -> memref<1x!tpu.dma_semaphore, #tpu.memory_space<semaphore_mem>>
        %dma_start3A_441 = tpu.memref_squeeze %dma_start3A_440 : memref<1x!tpu.dma_semaphore, #tpu.memory_space<semaphore_mem>> -> memref<!tpu.dma_semaphore, #tpu.memory_space<semaphore_mem>>
        tpu.enqueue_indirect_dma source(%dma_start3A_439 : memref<1000000x64xf32, #tpu.memory_space<hbm>>) target(%dma_start3A_433 : memref<128x64xf32, #tpu.memory_space<vmem>>) offsets(%dma_start3A_436 : memref<128xi32, #tpu.memory_space<vmem>>) semaphore(%dma_start3A_441 : memref<!tpu.dma_semaphore, #tpu.memory_space<semaphore_mem>>)
      } else {
      }
      %add3A_342 = arith.constant 3 : i32
      %add3A_343 = arith.addi %mul3A_200, %add3A_342 : i32
      %dma_wait3A_344 = arith.constant 3 : i32
      %dma_wait3A_345 = arith.constant 3 : i32
      %dma_wait3A_346 = arith.constant 0 : i32
      %dma_wait3A_347 = arith.constant 0 : i32
      %dma_wait3A_348 = tpu.memref_slice %arg6[%dma_wait3A_344, %dma_wait3A_346, %dma_wait3A_347] : memref<4x256x64xf32, #tpu.memory_space<vmem>> -> memref<1x256x64xf32, #tpu.memory_space<vmem>>
      %dma_wait3A_349 = tpu.memref_squeeze %dma_wait3A_348 : memref<1x256x64xf32, #tpu.memory_space<vmem>> -> memref<256x64xf32, #tpu.memory_space<vmem>>
      %dma_wait3A_350 = arith.constant 0 : i32
      %dma_wait3A_351 = arith.constant 0 : i32
      %dma_wait3A_352 = tpu.memref_slice %arg4[%dma_wait3A_350, %dma_wait3A_351] : memref<819200x64xf32, #tpu.memory_space<hbm>> -> memref<256x64xf32, #tpu.memory_space<hbm>>
      %dma_wait3A_353 = tpu.memref_slice %arg7[%dma_wait3A_345] : memref<4x!tpu.dma_semaphore, #tpu.memory_space<semaphore_mem>> -> memref<1x!tpu.dma_semaphore, #tpu.memory_space<semaphore_mem>>
      %dma_wait3A_354 = tpu.memref_squeeze %dma_wait3A_353 : memref<1x!tpu.dma_semaphore, #tpu.memory_space<semaphore_mem>> -> memref<!tpu.dma_semaphore, #tpu.memory_space<semaphore_mem>>
      %dma_wait3A_355 = arith.constant 0 : i32
      %dma_wait3A_356 = arith.constant 0 : i32
      %dma_wait3A_357 = tpu.memref_slice %arg6[%dma_wait3A_344, %dma_wait3A_355, %dma_wait3A_356] : memref<4x256x64xf32, #tpu.memory_space<vmem>> -> memref<1x256x64xf32, #tpu.memory_space<vmem>>
      %dma_wait3A_358 = tpu.memref_squeeze %dma_wait3A_357 : memref<1x256x64xf32, #tpu.memory_space<vmem>> -> memref<256x64xf32, #tpu.memory_space<vmem>>
      %dma_wait3A_359 = arith.constant 0 : i32
      %dma_wait3A_360 = arith.constant 0 : i32
      %dma_wait3A_361 = tpu.memref_slice %arg4[%dma_wait3A_359, %dma_wait3A_360] : memref<819200x64xf32, #tpu.memory_space<hbm>> -> memref<256x64xf32, #tpu.memory_space<hbm>>
      tpu.wait_dma2 semaphore(%dma_wait3A_354 : memref<!tpu.dma_semaphore, #tpu.memory_space<semaphore_mem>>) src(%dma_wait3A_361 : memref<256x64xf32, #tpu.memory_space<hbm>>) dst(%dma_wait3A_358 : memref<256x64xf32, #tpu.memory_space<vmem>>)
      %mul3A_362 = arith.constant 2 : i32
      %mul3A_363 = arith.muli %mul3A_362, %add3A_343 : i32
      %add3A_364 = arith.addi %mul3A_2, %mul3A_363 : i32
      %mul3A_365 = arith.constant 128 : i32
      %mul3A_366 = arith.muli %add3A_364, %mul3A_365 : i32
      %dma_start3A_367 = arith.constant 3 : i32
      %dma_start3A_368 = arith.constant 3 : i32
      %dma_start3A_369 = arith.constant 0 : i32
      %dma_start3A_370 = arith.constant 0 : i32
      %dma_start3A_371 = tpu.memref_slice %arg6[%dma_start3A_367, %dma_start3A_369, %dma_start3A_370] : memref<4x256x64xf32, #tpu.memory_space<vmem>> -> memref<1x256x64xf32, #tpu.memory_space<vmem>>
      %dma_start3A_372 = tpu.memref_squeeze %dma_start3A_371 : memref<1x256x64xf32, #tpu.memory_space<vmem>> -> memref<256x64xf32, #tpu.memory_space<vmem>>
      %dma_start3A_373 = arith.constant 0 : i32
      %dma_start3A_374 = tpu.memref_slice %arg4[%mul3A_366, %dma_start3A_373] : memref<819200x64xf32, #tpu.memory_space<hbm>> -> memref<256x64xf32, #tpu.memory_space<hbm>>
      %dma_start3A_375 = tpu.memref_slice %arg8[%dma_start3A_368] : memref<4x!tpu.dma_semaphore, #tpu.memory_space<semaphore_mem>> -> memref<1x!tpu.dma_semaphore, #tpu.memory_space<semaphore_mem>>
      %dma_start3A_376 = tpu.memref_squeeze %dma_start3A_375 : memref<1x!tpu.dma_semaphore, #tpu.memory_space<semaphore_mem>> -> memref<!tpu.dma_semaphore, #tpu.memory_space<semaphore_mem>>
      %dma_start3A_377 = arith.constant 0 : i32
      %dma_start3A_378 = tpu.memref_slice %arg4[%mul3A_366, %dma_start3A_377] : memref<819200x64xf32, #tpu.memory_space<hbm>> -> memref<256x64xf32, #tpu.memory_space<hbm>>
      %dma_start3A_379 = arith.constant 0 : i32
      %dma_start3A_380 = arith.constant 0 : i32
      %dma_start3A_381 = tpu.memref_slice %arg6[%dma_start3A_367, %dma_start3A_379, %dma_start3A_380] : memref<4x256x64xf32, #tpu.memory_space<vmem>> -> memref<1x256x64xf32, #tpu.memory_space<vmem>>
      %dma_start3A_382 = tpu.memref_squeeze %dma_start3A_381 : memref<1x256x64xf32, #tpu.memory_space<vmem>> -> memref<256x64xf32, #tpu.memory_space<vmem>>
      tpu.enqueue_dma source(%dma_start3A_382 : memref<256x64xf32, #tpu.memory_space<vmem>>) target(%dma_start3A_378 : memref<256x64xf32, #tpu.memory_space<hbm>>) target_semaphore(%dma_start3A_376 : memref<!tpu.dma_semaphore, #tpu.memory_space<semaphore_mem>>)
      %add3A_383 = arith.constant 4 : i32
      %add3A_384 = arith.addi %add3A_343, %add3A_383 : i32
      %lt3A_385 = arith.constant 100 : i32
      %lt3A_386 = arith.cmpi slt, %add3A_384, %lt3A_385 : i32
      %convert_element_type3A_387 = arith.extui %lt3A_386 : i1 to i32
      %cond3A_388 = arith.constant 0 : i32
      %cond3A_389 = arith.cmpi ne, %convert_element_type3A_387, %cond3A_388 : i32
      scf.if %cond3A_389 {
        %dma_wait3A_390 = arith.constant 3 : i32
        %dma_wait3A_391 = arith.constant 3 : i32
        %dma_wait3A_392 = arith.constant 0 : i32
        %dma_wait3A_393 = arith.constant 0 : i32
        %dma_wait3A_394 = tpu.memref_slice %arg6[%dma_wait3A_390, %dma_wait3A_392, %dma_wait3A_393] : memref<4x256x64xf32, #tpu.memory_space<vmem>> -> memref<1x256x64xf32, #tpu.memory_space<vmem>>
        %dma_wait3A_395 = tpu.memref_squeeze %dma_wait3A_394 : memref<1x256x64xf32, #tpu.memory_space<vmem>> -> memref<256x64xf32, #tpu.memory_space<vmem>>
        %dma_wait3A_396 = arith.constant 0 : i32
        %dma_wait3A_397 = tpu.memref_slice %arg4[%mul3A_366, %dma_wait3A_396] : memref<819200x64xf32, #tpu.memory_space<hbm>> -> memref<256x64xf32, #tpu.memory_space<hbm>>
        %dma_wait3A_398 = tpu.memref_slice %arg8[%dma_wait3A_391] : memref<4x!tpu.dma_semaphore, #tpu.memory_space<semaphore_mem>> -> memref<1x!tpu.dma_semaphore, #tpu.memory_space<semaphore_mem>>
        %dma_wait3A_399 = tpu.memref_squeeze %dma_wait3A_398 : memref<1x!tpu.dma_semaphore, #tpu.memory_space<semaphore_mem>> -> memref<!tpu.dma_semaphore, #tpu.memory_space<semaphore_mem>>
        %dma_wait3A_400 = arith.constant 0 : i32
        %dma_wait3A_401 = tpu.memref_slice %arg4[%mul3A_366, %dma_wait3A_400] : memref<819200x64xf32, #tpu.memory_space<hbm>> -> memref<256x64xf32, #tpu.memory_space<hbm>>
        %dma_wait3A_402 = arith.constant 0 : i32
        %dma_wait3A_403 = arith.constant 0 : i32
        %dma_wait3A_404 = tpu.memref_slice %arg6[%dma_wait3A_390, %dma_wait3A_402, %dma_wait3A_403] : memref<4x256x64xf32, #tpu.memory_space<vmem>> -> memref<1x256x64xf32, #tpu.memory_space<vmem>>
        %dma_wait3A_405 = tpu.memref_squeeze %dma_wait3A_404 : memref<1x256x64xf32, #tpu.memory_space<vmem>> -> memref<256x64xf32, #tpu.memory_space<vmem>>
        tpu.wait_dma2 semaphore(%dma_wait3A_399 : memref<!tpu.dma_semaphore, #tpu.memory_space<semaphore_mem>>) src(%dma_wait3A_405 : memref<256x64xf32, #tpu.memory_space<vmem>>) dst(%dma_wait3A_401 : memref<256x64xf32, #tpu.memory_space<hbm>>)
        %add3A_406 = arith.constant 4 : i32
        %add3A_407 = arith.addi %add3A_343, %add3A_406 : i32
        %mul3A_408 = arith.constant 2 : i32
        %mul3A_409 = arith.muli %mul3A_408, %add3A_407 : i32
        %dma_start3A_410 = arith.constant 3 : i32
        %dma_start3A_411 = arith.constant 3 : i32
        %dma_start3A_412 = arith.constant 0 : i32
        %dma_start3A_413 = arith.constant 0 : i32
        %dma_start3A_414 = tpu.memref_slice %arg6[%dma_start3A_410, %dma_start3A_412, %dma_start3A_413] : memref<4x256x64xf32, #tpu.memory_space<vmem>> -> memref<1x128x64xf32, #tpu.memory_space<vmem>>
        %dma_start3A_415 = tpu.memref_squeeze %dma_start3A_414 : memref<1x128x64xf32, #tpu.memory_space<vmem>> -> memref<128x64xf32, #tpu.memory_space<vmem>>
        %dma_start3A_416 = arith.constant 0 : i32
        %dma_start3A_417 = tpu.memref_slice %arg5[%mul3A_409, %dma_start3A_416] : memref<200x128xi32, #tpu.memory_space<vmem>> -> memref<1x128xi32, #tpu.memory_space<vmem>>
        %dma_start3A_418 = tpu.memref_squeeze %dma_start3A_417 : memref<1x128xi32, #tpu.memory_space<vmem>> -> memref<128xi32, #tpu.memory_space<vmem>>
        %dma_start3A_419 = arith.constant 0 : i32
        %dma_start3A_420 = arith.constant 0 : i32
        %dma_start3A_421 = tpu.memref_slice %arg3[%dma_start3A_419, %dma_start3A_420] : memref<1000000x64xf32, #tpu.memory_space<hbm>> -> memref<1000000x64xf32, #tpu.memory_space<hbm>>
        %dma_start3A_422 = tpu.memref_slice %arg7[%dma_start3A_411] : memref<4x!tpu.dma_semaphore, #tpu.memory_space<semaphore_mem>> -> memref<1x!tpu.dma_semaphore, #tpu.memory_space<semaphore_mem>>
        %dma_start3A_423 = tpu.memref_squeeze %dma_start3A_422 : memref<1x!tpu.dma_semaphore, #tpu.memory_space<semaphore_mem>> -> memref<!tpu.dma_semaphore, #tpu.memory_space<semaphore_mem>>
        tpu.enqueue_indirect_dma source(%dma_start3A_421 : memref<1000000x64xf32, #tpu.memory_space<hbm>>) target(%dma_start3A_415 : memref<128x64xf32, #tpu.memory_space<vmem>>) offsets(%dma_start3A_418 : memref<128xi32, #tpu.memory_space<vmem>>) semaphore(%dma_start3A_423 : memref<!tpu.dma_semaphore, #tpu.memory_space<semaphore_mem>>)
        %mul3A_424 = arith.constant 2 : i32
        %mul3A_425 = arith.muli %mul3A_424, %add3A_407 : i32
        %add3A_426 = arith.constant 1 : i32
        %add3A_427 = arith.addi %mul3A_425, %add3A_426 : i32
        %dma_start3A_428 = arith.constant 3 : i32
        %dma_start3A_429 = arith.constant 3 : i32
        %dma_start3A_430 = arith.constant 128 : i32
        %dma_start3A_431 = arith.constant 0 : i32
        %dma_start3A_432 = tpu.memref_slice %arg6[%dma_start3A_428, %dma_start3A_430, %dma_start3A_431] : memref<4x256x64xf32, #tpu.memory_space<vmem>> -> memref<1x128x64xf32, #tpu.memory_space<vmem>>
        %dma_start3A_433 = tpu.memref_squeeze %dma_start3A_432 : memref<1x128x64xf32, #tpu.memory_space<vmem>> -> memref<128x64xf32, #tpu.memory_space<vmem>>
        %dma_start3A_434 = arith.constant 0 : i32
        %dma_start3A_435 = tpu.memref_slice %arg5[%add3A_427, %dma_start3A_434] : memref<200x128xi32, #tpu.memory_space<vmem>> -> memref<1x128xi32, #tpu.memory_space<vmem>>
        %dma_start3A_436 = tpu.memref_squeeze %dma_start3A_435 : memref<1x128xi32, #tpu.memory_space<vmem>> -> memref<128xi32, #tpu.memory_space<vmem>>
        %dma_start3A_437 = arith.constant 0 : i32
        %dma_start3A_438 = arith.constant 0 : i32
        %dma_start3A_439 = tpu.memref_slice %arg3[%dma_start3A_437, %dma_start3A_438] : memref<1000000x64xf32, #tpu.memory_space<hbm>> -> memref<1000000x64xf32, #tpu.memory_space<hbm>>
        %dma_start3A_440 = tpu.memref_slice %arg7[%dma_start3A_429] : memref<4x!tpu.dma_semaphore, #tpu.memory_space<semaphore_mem>> -> memref<1x!tpu.dma_semaphore, #tpu.memory_space<semaphore_mem>>
        %dma_start3A_441 = tpu.memref_squeeze %dma_start3A_440 : memref<1x!tpu.dma_semaphore, #tpu.memory_space<semaphore_mem>> -> memref<!tpu.dma_semaphore, #tpu.memory_space<semaphore_mem>>
        tpu.enqueue_indirect_dma source(%dma_start3A_439 : memref<1000000x64xf32, #tpu.memory_space<hbm>>) target(%dma_start3A_433 : memref<128x64xf32, #tpu.memory_space<vmem>>) offsets(%dma_start3A_436 : memref<128xi32, #tpu.memory_space<vmem>>) semaphore(%dma_start3A_441 : memref<!tpu.dma_semaphore, #tpu.memory_space<semaphore_mem>>)
      } else {
      }
    }
    %scan3A_126 = arith.constant 25 : i32
    %mul3A_127 = arith.constant 128 : i32
    %mul3A_128 = arith.muli %mul3A_2, %mul3A_127 : i32
    %dma_wait3A = arith.constant 0 : i32
    %dma_wait3A_129 = arith.constant 0 : i32
    %dma_wait3A_130 = arith.constant 0 : i32
    %dma_wait3A_131 = arith.constant 0 : i32
    %dma_wait3A_132 = tpu.memref_slice %arg6[%dma_wait3A, %dma_wait3A_130, %dma_wait3A_131] : memref<4x256x64xf32, #tpu.memory_space<vmem>> -> memref<1x256x64xf32, #tpu.memory_space<vmem>>
    %dma_wait3A_133 = tpu.memref_squeeze %dma_wait3A_132 : memref<1x256x64xf32, #tpu.memory_space<vmem>> -> memref<256x64xf32, #tpu.memory_space<vmem>>
    %dma_wait3A_134 = arith.constant 0 : i32
    %dma_wait3A_135 = tpu.memref_slice %arg4[%mul3A_128, %dma_wait3A_134] : memref<819200x64xf32, #tpu.memory_space<hbm>> -> memref<256x64xf32, #tpu.memory_space<hbm>>
    %dma_wait3A_136 = tpu.memref_slice %arg8[%dma_wait3A_129] : memref<4x!tpu.dma_semaphore, #tpu.memory_space<semaphore_mem>> -> memref<1x!tpu.dma_semaphore, #tpu.memory_space<semaphore_mem>>
    %dma_wait3A_137 = tpu.memref_squeeze %dma_wait3A_136 : memref<1x!tpu.dma_semaphore, #tpu.memory_space<semaphore_mem>> -> memref<!tpu.dma_semaphore, #tpu.memory_space<semaphore_mem>>
    %dma_wait3A_138 = arith.constant 0 : i32
    %dma_wait3A_139 = tpu.memref_slice %arg4[%mul3A_128, %dma_wait3A_138] : memref<819200x64xf32, #tpu.memory_space<hbm>> -> memref<256x64xf32, #tpu.memory_space<hbm>>
    %dma_wait3A_140 = arith.constant 0 : i32
    %dma_wait3A_141 = arith.constant 0 : i32
    %dma_wait3A_142 = tpu.memref_slice %arg6[%dma_wait3A, %dma_wait3A_140, %dma_wait3A_141] : memref<4x256x64xf32, #tpu.memory_space<vmem>> -> memref<1x256x64xf32, #tpu.memory_space<vmem>>
    %dma_wait3A_143 = tpu.memref_squeeze %dma_wait3A_142 : memref<1x256x64xf32, #tpu.memory_space<vmem>> -> memref<256x64xf32, #tpu.memory_space<vmem>>
    tpu.wait_dma2 semaphore(%dma_wait3A_137 : memref<!tpu.dma_semaphore, #tpu.memory_space<semaphore_mem>>) src(%dma_wait3A_143 : memref<256x64xf32, #tpu.memory_space<vmem>>) dst(%dma_wait3A_139 : memref<256x64xf32, #tpu.memory_space<hbm>>)
    %mul3A_144 = arith.constant 128 : i32
    %mul3A_145 = arith.muli %mul3A_2, %mul3A_144 : i32
    %dma_wait3A_146 = arith.constant 1 : i32
    %dma_wait3A_147 = arith.constant 1 : i32
    %dma_wait3A_148 = arith.constant 0 : i32
    %dma_wait3A_149 = arith.constant 0 : i32
    %dma_wait3A_150 = tpu.memref_slice %arg6[%dma_wait3A_146, %dma_wait3A_148, %dma_wait3A_149] : memref<4x256x64xf32, #tpu.memory_space<vmem>> -> memref<1x256x64xf32, #tpu.memory_space<vmem>>
    %dma_wait3A_151 = tpu.memref_squeeze %dma_wait3A_150 : memref<1x256x64xf32, #tpu.memory_space<vmem>> -> memref<256x64xf32, #tpu.memory_space<vmem>>
    %dma_wait3A_152 = arith.constant 0 : i32
    %dma_wait3A_153 = tpu.memref_slice %arg4[%mul3A_145, %dma_wait3A_152] : memref<819200x64xf32, #tpu.memory_space<hbm>> -> memref<256x64xf32, #tpu.memory_space<hbm>>
    %dma_wait3A_154 = tpu.memref_slice %arg8[%dma_wait3A_147] : memref<4x!tpu.dma_semaphore, #tpu.memory_space<semaphore_mem>> -> memref<1x!tpu.dma_semaphore, #tpu.memory_space<semaphore_mem>>
    %dma_wait3A_155 = tpu.memref_squeeze %dma_wait3A_154 : memref<1x!tpu.dma_semaphore, #tpu.memory_space<semaphore_mem>> -> memref<!tpu.dma_semaphore, #tpu.memory_space<semaphore_mem>>
    %dma_wait3A_156 = arith.constant 0 : i32
    %dma_wait3A_157 = tpu.memref_slice %arg4[%mul3A_145, %dma_wait3A_156] : memref<819200x64xf32, #tpu.memory_space<hbm>> -> memref<256x64xf32, #tpu.memory_space<hbm>>
    %dma_wait3A_158 = arith.constant 0 : i32
    %dma_wait3A_159 = arith.constant 0 : i32
    %dma_wait3A_160 = tpu.memref_slice %arg6[%dma_wait3A_146, %dma_wait3A_158, %dma_wait3A_159] : memref<4x256x64xf32, #tpu.memory_space<vmem>> -> memref<1x256x64xf32, #tpu.memory_space<vmem>>
    %dma_wait3A_161 = tpu.memref_squeeze %dma_wait3A_160 : memref<1x256x64xf32, #tpu.memory_space<vmem>> -> memref<256x64xf32, #tpu.memory_space<vmem>>
    tpu.wait_dma2 semaphore(%dma_wait3A_155 : memref<!tpu.dma_semaphore, #tpu.memory_space<semaphore_mem>>) src(%dma_wait3A_161 : memref<256x64xf32, #tpu.memory_space<vmem>>) dst(%dma_wait3A_157 : memref<256x64xf32, #tpu.memory_space<hbm>>)
    %mul3A_162 = arith.constant 128 : i32
    %mul3A_163 = arith.muli %mul3A_2, %mul3A_162 : i32
    %dma_wait3A_164 = arith.constant 2 : i32
    %dma_wait3A_165 = arith.constant 2 : i32
    %dma_wait3A_166 = arith.constant 0 : i32
    %dma_wait3A_167 = arith.constant 0 : i32
    %dma_wait3A_168 = tpu.memref_slice %arg6[%dma_wait3A_164, %dma_wait3A_166, %dma_wait3A_167] : memref<4x256x64xf32, #tpu.memory_space<vmem>> -> memref<1x256x64xf32, #tpu.memory_space<vmem>>
    %dma_wait3A_169 = tpu.memref_squeeze %dma_wait3A_168 : memref<1x256x64xf32, #tpu.memory_space<vmem>> -> memref<256x64xf32, #tpu.memory_space<vmem>>
    %dma_wait3A_170 = arith.constant 0 : i32
    %dma_wait3A_171 = tpu.memref_slice %arg4[%mul3A_163, %dma_wait3A_170] : memref<819200x64xf32, #tpu.memory_space<hbm>> -> memref<256x64xf32, #tpu.memory_space<hbm>>
    %dma_wait3A_172 = tpu.memref_slice %arg8[%dma_wait3A_165] : memref<4x!tpu.dma_semaphore, #tpu.memory_space<semaphore_mem>> -> memref<1x!tpu.dma_semaphore, #tpu.memory_space<semaphore_mem>>
    %dma_wait3A_173 = tpu.memref_squeeze %dma_wait3A_172 : memref<1x!tpu.dma_semaphore, #tpu.memory_space<semaphore_mem>> -> memref<!tpu.dma_semaphore, #tpu.memory_space<semaphore_mem>>
    %dma_wait3A_174 = arith.constant 0 : i32
    %dma_wait3A_175 = tpu.memref_slice %arg4[%mul3A_163, %dma_wait3A_174] : memref<819200x64xf32, #tpu.memory_space<hbm>> -> memref<256x64xf32, #tpu.memory_space<hbm>>
    %dma_wait3A_176 = arith.constant 0 : i32
    %dma_wait3A_177 = arith.constant 0 : i32
    %dma_wait3A_178 = tpu.memref_slice %arg6[%dma_wait3A_164, %dma_wait3A_176, %dma_wait3A_177] : memref<4x256x64xf32, #tpu.memory_space<vmem>> -> memref<1x256x64xf32, #tpu.memory_space<vmem>>
    %dma_wait3A_179 = tpu.memref_squeeze %dma_wait3A_178 : memref<1x256x64xf32, #tpu.memory_space<vmem>> -> memref<256x64xf32, #tpu.memory_space<vmem>>
    tpu.wait_dma2 semaphore(%dma_wait3A_173 : memref<!tpu.dma_semaphore, #tpu.memory_space<semaphore_mem>>) src(%dma_wait3A_179 : memref<256x64xf32, #tpu.memory_space<vmem>>) dst(%dma_wait3A_175 : memref<256x64xf32, #tpu.memory_space<hbm>>)
    %mul3A_180 = arith.constant 128 : i32
    %mul3A_181 = arith.muli %mul3A_2, %mul3A_180 : i32
    %dma_wait3A_182 = arith.constant 3 : i32
    %dma_wait3A_183 = arith.constant 3 : i32
    %dma_wait3A_184 = arith.constant 0 : i32
    %dma_wait3A_185 = arith.constant 0 : i32
    %dma_wait3A_186 = tpu.memref_slice %arg6[%dma_wait3A_182, %dma_wait3A_184, %dma_wait3A_185] : memref<4x256x64xf32, #tpu.memory_space<vmem>> -> memref<1x256x64xf32, #tpu.memory_space<vmem>>
    %dma_wait3A_187 = tpu.memref_squeeze %dma_wait3A_186 : memref<1x256x64xf32, #tpu.memory_space<vmem>> -> memref<256x64xf32, #tpu.memory_space<vmem>>
    %dma_wait3A_188 = arith.constant 0 : i32
    %dma_wait3A_189 = tpu.memref_slice %arg4[%mul3A_181, %dma_wait3A_188] : memref<819200x64xf32, #tpu.memory_space<hbm>> -> memref<256x64xf32, #tpu.memory_space<hbm>>
    %dma_wait3A_190 = tpu.memref_slice %arg8[%dma_wait3A_183] : memref<4x!tpu.dma_semaphore, #tpu.memory_space<semaphore_mem>> -> memref<1x!tpu.dma_semaphore, #tpu.memory_space<semaphore_mem>>
    %dma_wait3A_191 = tpu.memref_squeeze %dma_wait3A_190 : memref<1x!tpu.dma_semaphore, #tpu.memory_space<semaphore_mem>> -> memref<!tpu.dma_semaphore, #tpu.memory_space<semaphore_mem>>
    %dma_wait3A_192 = arith.constant 0 : i32
    %dma_wait3A_193 = tpu.memref_slice %arg4[%mul3A_181, %dma_wait3A_192] : memref<819200x64xf32, #tpu.memory_space<hbm>> -> memref<256x64xf32, #tpu.memory_space<hbm>>
    %dma_wait3A_194 = arith.constant 0 : i32
    %dma_wait3A_195 = arith.constant 0 : i32
    %dma_wait3A_196 = tpu.memref_slice %arg6[%dma_wait3A_182, %dma_wait3A_194, %dma_wait3A_195] : memref<4x256x64xf32, #tpu.memory_space<vmem>> -> memref<1x256x64xf32, #tpu.memory_space<vmem>>
    %dma_wait3A_197 = tpu.memref_squeeze %dma_wait3A_196 : memref<1x256x64xf32, #tpu.memory_space<vmem>> -> memref<256x64xf32, #tpu.memory_space<vmem>>
    tpu.wait_dma2 semaphore(%dma_wait3A_191 : memref<!tpu.dma_semaphore, #tpu.memory_space<semaphore_mem>>) src(%dma_wait3A_197 : memref<256x64xf32, #tpu.memory_space<vmem>>) dst(%dma_wait3A_193 : memref<256x64xf32, #tpu.memory_space<hbm>>)
    return
  }
}

</mosaic_0001>

<sc_bundles>
// kernel: kernel.3.cloned.1.call-start
scs
__scs_entry_jumppad:
0x0: {  	(pc) =	sbr.rel $0x88, $3  }
0x1: {  	(tag) =	ssettag $0x0;
	lr =	simm.s32 $0x1  }
0x2: {  	[smem:$0x3F9F] =	sst lr;
	_ =	strace $0xD0000000  }
0x3: {  	_ = 	snop  }
0x4: {  	_ = 	snop  }
0x5: {  	_ = 	snop  }
0x6: {  	_ = 	snop  }
0x7: {  	_ = 	snop  }
__scs_overlays_trampoline_lowered:
0x8: {  	[smem:$0x3FAE] =	sst s0  }
0x9: {  	[smem:$0x3FAF] =	sst s1  }
0xa: {  	[smem:$0x3FB0] =	sst s2  }
0xb: {  	[smem:$0x3FB1] =	sst s3  }
0xc: {  	[smem:$0x3FB2] =	sst s4  }
0xd: {  	[smem:$0x3FB3] =	sst s5  }
0xe: {  	[smem:$0x3FB4] =	sst s6  }
0xf: {  	[smem:$0x3FB5] =	sst s7  }
0x10: {  	[smem:$0x3FB6] =	sst s8  }
0x11: {  	[smem:$0x3FB7] =	sst s9;
	s0 =	simm.s32 @!p0 $0x0  }
0x12: {  	s1 =	sld [smem:$0x3F9D];
	s0 =	simm.s32 @p0 $0x1  }
0x13: {  	[smem:$0x3FB8] =	sst s0;
	s0 =	simm.s32 @!p1 $0x0  }
0x14: {  	s2 =	sld [smem:$0x3F9C];
	s0 =	simm.s32 @p1 $0x1  }
0x15: {  	[smem:$0x3FB9] =	sst s0;
	s0 =	simm.s32 @!p2 $0x0  }
0x16: {  	s3 =	sld [smem:$0x3FDB];
	s0 =	simm.s32 @p2 $0x1  }
0x17: {  	s4 =	simm.s32 $0x1BF5;
	[smem:$0x3FBB] =	sst s0  }
0x18: {  	s0 =	sld [smem:$0x3F9E];
	_ =	swait.ge [sflag:s4], $0x0  }
0x19: {  	s7 =	sld [smem:$0x3F9F]  }
0x1a: {  	s8 =	sadd.s32 $0xFFFFE003, lr  }
0x1b: {  	s9 =	sadd.s32 $0xFFFFFEF7, lr;
	s5 =	simm.s32 $0xFFFFFFFF;
	p2 =	slt.u32 s8, $0xFFFFF086  }
0x1c: {  	p1 =	slt.u32 s9, $0xF7A;
	s5 =	simm.s32 @!p2 $0x0  }
0x1d: {  	s5 =	simm.s32 @p1 $0x1;
	p0 =	seq.s32 s7, s2  }
0x1e: {  	s7 =	smul.u32 @!p0 $0xF7A, s2;
	p2 =	seq.s32 @!p0 s5, $0x0  }
0x1f: {  	s9 =	smul.u32 $0xF7A, s1;
	s8 =	simm.s32 @!p0 $0x1BF5;
	p2 =	por !p2, p0  }
0x20: {  	[sflag:s8] =	ssyncset.s32 @!p0 $0xFFFFF086;
	s6 =	sadd.s32 @!p0 s3, s7;
	s7 =	simm.s32 @!p0 $0x108  }
0x21: {  	s3 =	sadd.s32 s3, s9;
	s6 =	sadd.s32 @!p0 $0x88, s6;
	s7 =	simm.s32 @p2 $0x1082  }
0x22: {  	[simem:s7], [sflag:s8] =	dma.local @!p0 [hbm:s6], $0xF7A  }
0x23: {  	s9 =	sor.u32 $0xD0000000, s2;
	s6 =	simm.s32 $0x108;
	_ =	swait.ge @!p0 [sflag:s8], $0x0  }
0x24: {  	s3 =	sadd.s32 $0x88, s3;
	s6 =	simm.s32 @!p1 $0x1082;
	[sflag:s4] =	ssyncset.s32 $0xFFFFF086  }
0x25: {  	[simem:s6], [sflag:s4] =	dma.local [hbm:s3], $0xF7A  }
0x26: {  	[smem:$0x3F9F] =	sst s1;
	(tag) =	ssettag s2;
	_ =	strace s9  }
0x27: {  	s1 =	sld [smem:$0x3FAF]  }
0x28: {  	s2 =	sld [smem:$0x3FB0]  }
0x29: {  	s4 =	sld [smem:$0x3FB2]  }
0x2a: {  	p0 =	seq.s32 s5, $0x0;
	s5 =	sld [smem:$0x3FB3]  }
0x2b: {  	s6 =	sld [smem:$0x3FB4]  }
0x2c: {  	s7 =	sld [smem:$0x3FB5]  }
0x2d: {  	s3 =	simm.s32 $0x108;
	s8 =	sld [smem:$0x3FB6]  }
0x2e: {  	s3 =	simm.s32 @!p0 $0x1082;
	s9 =	sld [smem:$0x3FB7]  }
0x2f: {  	lr =	sadd.s32 s0, s3;
	s0 =	sld [smem:$0x3FAE]  }
0x30: {  	s3 =	sld [smem:$0x3FB1]  }
0x31: {  	[smem:$0x3FBA] =	sst s10  }
0x32: {  	s10 =	sld [smem:$0x3FB8];
	_ =	sdelay $0x3  }
0x33: {  	p0 =	seq.s32 s10, $0x1;
	s10 =	sld [smem:$0x3FBA];
	_ =	sdelay $0x3  }
0x34: {  	[smem:$0x3FBA] =	sst s10  }
0x35: {  	s10 =	sld [smem:$0x3FB9];
	_ =	sdelay $0x3  }
0x36: {  	p1 =	seq.s32 s10, $0x1;
	s10 =	sld [smem:$0x3FBA];
	_ =	sdelay $0x3  }
0x37: {  	[smem:$0x3FBA] =	sst s10  }
0x38: {  	s10 =	sld [smem:$0x3FBB]  }
0x39: {  	_ = 	snop;
	(pc) =	sbr.ind lr, $3  }
0x3a: {  	_ = 	snop  }
0x3b: {  	_ = 	snop  }
0x3c: {  	p2 =	seq.s32 s10, $0x1;
	s10 =	sld [smem:$0x3FBA]  }
0x3d: {  	_ =	shalt  }
0x3e: {  	_ =	shalt  }
0x3f: {  	_ =	shalt  }
0x40: {  	_ =	shalt  }
0x41: {  	_ =	shalt  }
0x42: {  	_ =	shalt  }
0x43: {  	_ =	shalt  }
0x44: {  	_ =	shalt  }
0x45: {  	_ =	shalt  }
0x46: {  	_ =	shalt  }
0x47: {  	_ =	shalt  }
0x48: {  	_ =	shalt  }
0x49: {  	_ =	shalt  }
0x4a: {  	_ =	shalt  }
0x4b: {  	_ =	shalt  }
0x4c: {  	_ =	shalt  }
0x4d: {  	_ =	shalt  }
0x4e: {  	_ =	shalt  }
0x4f: {  	_ =	shalt  }
0x50: {  	_ =	shalt  }
0x51: {  	_ =	shalt  }
0x52: {  	_ =	shalt  }
0x53: {  	_ =	shalt  }
0x54: {  	_ =	shalt  }
0x55: {  	_ =	shalt  }
0x56: {  	_ =	shalt  }
0x57: {  	_ =	shalt  }
0x58: {  	_ =	shalt  }
0x59: {  	_ =	shalt  }
0x5a: {  	_ =	shalt  }
0x5b: {  	_ =	shalt  }
0x5c: {  	_ =	shalt  }
0x5d: {  	_ =	shalt  }
0x5e: {  	_ =	shalt  }
0x5f: {  	_ =	shalt  }
0x60: {  	_ =	shalt  }
0x61: {  	_ =	shalt  }
0x62: {  	_ =	shalt  }
0x63: {  	_ =	shalt  }
0x64: {  	_ =	shalt  }
0x65: {  	_ =	shalt  }
0x66: {  	_ =	shalt  }
0x67: {  	_ =	shalt  }
0x68: {  	_ =	shalt  }
0x69: {  	_ =	shalt  }
0x6a: {  	_ =	shalt  }
0x6b: {  	_ =	shalt  }
0x6c: {  	_ =	shalt  }
0x6d: {  	_ =	shalt  }
0x6e: {  	_ =	shalt  }
0x6f: {  	_ =	shalt  }
0x70: {  	_ =	shalt  }
0x71: {  	_ =	shalt  }
0x72: {  	_ =	shalt  }
0x73: {  	_ =	shalt  }
0x74: {  	_ =	shalt  }
0x75: {  	_ =	shalt  }
0x76: {  	_ =	shalt  }
0x77: {  	_ =	shalt  }
0x78: {  	_ =	shalt  }
0x79: {  	_ =	shalt  }
0x7a: {  	_ =	shalt  }
0x7b: {  	_ =	shalt  }
0x7c: {  	_ =	shalt  }
0x7d: {  	_ =	shalt  }
0x7e: {  	_ =	shalt  }
0x7f: {  	_ =	shalt  }
0x80: {  	_ =	shalt  }
0x81: {  	_ =	shalt  }
0x82: {  	_ =	shalt  }
0x83: {  	_ =	shalt  }
0x84: {  	_ =	shalt  }
0x85: {  	_ =	shalt  }
0x86: {  	_ =	shalt  }
0x87: {  	_ =	shalt  }
.Lfunc_end0:
.L_simem_size_0:
called_computation.1_lowered:
.L_overlay_start_0:
0x88: {  	s2 =	sld [smem:$0x3FD9]  }
0x89: {  	s3 =	sld [smem:$0x3FFE];
	_ =	sdelay $0x1  }
0x8a: {  	s1 =	srdreg.scid  }
0x8b: {  	s0 =	sand.u32 $0x1, s1  }
0x8c: {  	s17 =	sshll.u32 s0, $0xA;
	s2 =	sadd.s32 s3, s2  }
0x8d: {  	s2 =	sadd.s32 s2, s17  }
0x8e: {  	[smem:$0x3FC6] =	sst s2  }
0x8f: {  	_ = 	snop  }
0x90: {  	s2 =	sld [smem:$0x3FD0];
	(tm) =	ssettm $0x1  }
0x91: {  	s18 =	sld [smem:$0x3FFB];
	_ =	sdelay $0x3  }
0x92: {  	_ =	strace s18  }
0x93: {  	s3 =	sld [smem:$0x3FFC];
	_ =	sdelay $0x3  }
0x94: {  	_ =	strace s3  }
0x95: {  	s3 =	sld [smem:$0x3FFD];
	_ =	sdelay $0x3  }
0x96: {  	_ =	strace s3  }
0x97: {  	_ =	strace $0x8FFFFFFF  }
0x98: {  	s19 =	sld [smem:$0x3FDB];
	_ =	sdelay $0x1  }
0x99: {  	s4 =	simm.s32 $_scs_section_size  }
0x9a: {  	s5 =	simm.s32 $_size__tile_overlayer_lowered;
	s6 =	simm.s32 $_tile_overlayer_lowered  }
0x9b: {  	s22 =	simm.s32 $0x1BFF;
	s21 =	sshll.u32 s6, $0x1;
	s3 =	sadd.s32 s4, s19  }
0x9c: {  	s7 =	simm.s32 $0x0;
	s20 =	sshll.u32 s5, $0x1;
	s5 =	sadd.s32 s21, s3  }
0x9d: {  	[timem:s7], [sflag:s22] =	dma.local [hbm:s5], s20  }
0x9e: {  	_ =	swait.ge [sflag:s22], s20  }
0x9f: {  	s4 =	ssub.s32 $0x0, s20;
	[sflag:s22] =	ssyncset.done $0x0  }
0xa0: {  	[sflag:s22] =	ssyncadd.s32 s4;
	_ =	sdelay $0x1  }
0xa1: {  	s23 =	simm.s32 $0x1B8B  }
0xa2: {  	_ =	swait.ge [sflag:s23], $0x1  }
0xa3: {  	[sflag:s23] =	ssyncset.done $0x0  }
0xa4: {  	s25 =	simm.s32 $0x1B8E;
	s24 =	sld [smem:$0x3FFE];
	[sflag:s23] =	ssyncadd.s32 $0xFFFFFFFF  }
0xa5: {  	s26 =	simm.s32 $execute0_lowered;
	[smem:$0x3FD2] =	sst s25  }
0xa6: {  	s5 =	sshll.u32 s26, $0x1;
	_ =	strace $0x80000046;
	[dreg:$0x1] =	wrdreg $0xFFFFFFFF  }
0xa7: {  	s28 =	simm.s32 $_size_execute0_lowered;
	s3 =	sadd.s32 s3, s5;
	[dreg:$0x0] =	wrdreg $0x0  }
0xa8: {  	s5 =	sshll.u32 s28, $0x1;
	[dreg:$0x2] =	wrdreg s3  }
0xa9: {  	[dreg:$0x3] =	wrdreg s5  }
0xaa: {  	[dreg:$0x4] =	wrdreg $0xC0  }
0xab: {  	_ =	task [dreg:s7], $0x5FFFF  }
0xac: {  	[dreg:$0x1] =	wrdreg $0xFFFFFFFF  }
0xad: {  	[dreg:$0x0] =	wrdreg $0x60  }
0xae: {  	[dreg:$0x2] =	wrdreg s24  }
0xaf: {  	[dreg:$0x3] =	wrdreg s2  }
0xb0: {  	[dreg:$0x4] =	wrdreg $0x9  }
0xb1: {  	_ =	task.clear_ibuf [dreg:s7], $0x5FFFF;
	_ =	strace $0x90000046  }
0xb2: {  	s29 =	simm.s32 $0x9;
	_ =	strace $0x80000048  }
0xb3: {  	_ =	swait.ge [sflag:s29], $0x1  }
0xb4: {  	[sflag:s29] =	ssyncadd.s32 $0xFFFFFFFF  }
0xb5: {  	_ =	strace $0x90000048  }
0xb6: {  	_ =	sfence  }
0xb7: {  	s30 =	sld [smem:$0x0];
	_ =	sdelay $0x2  }
0xb8: {  	s31 =	sshll.u32 s1, $0xD;
	s1 =	sshrl.u32 s1, $0x2  }
0xb9: {  	s3 =	sand.u32 $0x4000, s31;
	s1 =	sadd.s32 s1, s30  }
0xba: {  	s0 =	sor.u32 s3, s0;
	s1 =	sshll.u32 s1, $0x11  }
0xbb: {  	s0 =	sor.u32 s1, s0  }
0xbc: {  	s0 =	sadd.s32 $0x8F2B, s0  }
0xbd: {  	[sflag:s0] =	ssyncadd.remote.s32 $0x1  }
0xbe: {  	_ =	sfence.sel $0xFFFF  }
0xbf: {  	[dreg:$0x0] =	wrdreg $0xFFFFFFFF;
	(pc) =	sbr.abs _section_cstart, $3  }
0xc0: {  	[dreg:$0x1] =	wrdreg $0xFFFFFFFF  }
0xc1: {  	_ =	task.clear_ibuf [dreg:s7], $0x2FFFF;
	_ =	strace $0x9FFFFFFF  }
0xc2: {  	(tm) =	ssettm $0x7FFFFFFF  }
0xc3: {  	_ =	shalt  }
tec
execute0_lowered:
.L_overlay_start_1:
0x0: {  	(tag) =	ssettag $0x1  }
0x1: {  	s0 =	srdreg.scid;
	s3 =	rddreg [dreg:$0x0]  }
0x2: {  	s5 =	stileid.u32;
	s6 =	rddreg [dreg:$0x1];
	s2 =	simm.s32 $0x0  }
0x3: {  	s10 =	simm.s32 $0x9;
	s11 =	simm.s32 $0x80;
	s12 =	simm.s32 $0x6400  }
0x4: {  	s15 =	simm.s32 $0xA400;
	s19 =	simm.s32 $0xE400;
	s23 =	simm.s32 $0x12400  }
0x5: {  	s28 =	simm.s32 $0x2;
	s29 =	simm.s32 $0x3;
	s30 =	simm.s32 $0x4  }
0x6: {  	s31 =	simm.s32 $0x5;
	s13 =	simm.s32 $0x8;
	s4 =	smul.u32 $0x320000, s5  }
0x7: {  	s0 =	sand.u32 $0x1, s0;
	s1 =	sshll.u32 s5, $0x1;
	s5 =	smul.u32 $0x190, s5  }
0x8: {  	s14 =	simm.s32 $0x0;
	[smem:$0x7FF] =	sst s2;
	s7 =	smul.u32 $0xC8, s0  }
0x9: {  	s1 =	sor.u32 s0, s1;
	s8 =	ssub.s32 $0x2, s0;
	s0 =	smul.u32 $0x190000, s0  }
0xa: {  	_ =	strace $0x80000047;
	s1 =	smul.u32 $0xC80, s1;
	s9 =	sshrl.u32 s8, $0x1  }
0xb: {  	s5 =	sadd.s32 s7, s5;
	s24 =	ssub.s32 s8, s9;
	s0 =	sadd.s32 s0, s4  }
0xc: {  	s1 =	sadd.s32 s1, s3;
	s3 =	sadd.s32 $0xF42E00, s3;
	s5 =	sshll.u32 s5, $0xA  }
.Ltmp0:
0xd: {  	s0 =	sshrl.u32 s0, $0x3;
	s26 =	smax.u32 s24, $0x1;
	(pc) =	sbr.rel .LBB2_1-.Ltmp0, $4  }
0xe: {  	s1 =	sadd.s32 $0xA00, s1;
	s25 =	sadd.s32 s5, s6;
	[dreg:$0x4] =	wrdreg s26  }
0xf: {  	s21 =	sadd.s32 s0, s6;
	s26 =	simm.s32 $0x1;
	s0 =	simm.s32 $0x7  }
0x10: {  	[dreg:$0x3] =	wrdreg s1;
	s20 =	sadd.s32 $0x1800, s25;
	s18 =	sadd.s32 $0x1000, s25  }
0x11: {  	s17 =	sadd.s32 $0x800, s25;
	s25 =	simm.s32 $0x14400;
	s1 =	simm.s32 $0x6  }
.LBB2_4:
0x12: {  	_ =	swait.ge [sflag:s31], $0x4000  }
0x13: {  	[sflag:s31] =	ssyncset.done $0x0  }
0x14: {  	[sflag:s31] =	ssyncadd.s32 $0xFFFFC000  }
0x15: {  	_ =	swait.ge [sflag:s1], $0x4000  }
0x16: {  	[sflag:s1] =	ssyncset.done $0x0  }
0x17: {  	[sflag:s1] =	ssyncadd.s32 $0xFFFFC000  }
0x18: {  	_ =	swait.ge [sflag:s0], $0x4000  }
0x19: {  	[sflag:s0] =	ssyncset.done $0x0  }
0x1a: {  	[sflag:s0] =	ssyncadd.s32 $0xFFFFC000  }
0x1b: {  	_ =	swait.ge [sflag:s13], $0x4000  }
0x1c: {  	s14 =	sadd.s32 $0x1, s14;
	s4 =	rddreg [dreg:$0x4]  }
0x1d: {  	p0 =	sne.s32 s14, s4  }
.Ltmp1:
0x1e: {  	_ = 	snop;
	(pc) =	sbr.rel @!p0 .LBB2_5-.Ltmp1, $3  }
0x1f: {  	_ =	sdelay $0x1  }
0x20: {  	[sflag:s13] =	ssyncset.done $0x0  }
0x21: {  	[sflag:s13] =	ssyncadd.s32 $0xFFFFC000  }
.LBB2_1:
0x22: {  	s4 =	rddreg [dreg:$0x3]  }
0x23: {  	[tilespmem:s2], [sflag:$0x9] =	stream.linear.gather [hbm4b:s4+s2], $0x6400, $0x38;
	[tilespmem:$0x16400] =	vst v63  }
0x24: {  	_ =	swait.ge [sflag:s10], $0x6400  }
0x25: {  	[sflag:s10] =	ssyncset.done $0x0  }
0x26: {  	[sflag:s10] =	ssyncadd.s32 $0xFFFF9C00  }
0x27: {  	[tilespmem:s12], [sflag:$0x1] =	stream.indirect.gather [hbm4b:s3+s11], $0x40, s2, s11, $0xb8;
	[tilespmem:$0x16400] =	vst v63  }
0x28: {  	s5 =	simm.s32 $0x8400  }
0x29: {  	[tilespmem:s5], [sflag:$0x1] =	stream.indirect.gather [hbm4b:s3+s11], $0x40, s11, s11, $0xb8;
	[tilespmem:$0x16400] =	vst v63  }
0x2a: {  	s6 =	simm.s32 $0x100  }
0x2b: {  	[tilespmem:s15], [sflag:$0x2] =	stream.indirect.gather [hbm4b:s3+s11], $0x40, s6, s11, $0xb8;
	[tilespmem:$0x16400] =	vst v63  }
0x2c: {  	s7 =	simm.s32 $0x180;
	s5 =	simm.s32 $0xC400  }
0x2d: {  	[tilespmem:s5], [sflag:$0x2] =	stream.indirect.gather [hbm4b:s3+s11], $0x40, s7, s11, $0xb8;
	[tilespmem:$0x16400] =	vst v63  }
0x2e: {  	s8 =	simm.s32 $0x200  }
0x2f: {  	[tilespmem:s19], [sflag:$0x3] =	stream.indirect.gather [hbm4b:s3+s11], $0x40, s8, s11, $0xb8;
	[tilespmem:$0x16400] =	vst v63  }
0x30: {  	s9 =	simm.s32 $0x280;
	s16 =	simm.s32 $0x10400;
	s22 =	simm.s32 $0x300  }
0x31: {  	[tilespmem:s16], [sflag:$0x3] =	stream.indirect.gather [hbm4b:s3+s11], $0x40, s9, s11, $0xb8;
	[tilespmem:$0x16400] =	vst v63  }
0x32: {  	s24 =	simm.s32 $0x380;
	s6 =	smov.u32 s21;
	s7 =	smov.u32 s20  }
0x33: {  	[tilespmem:s23], [sflag:$0x4] =	stream.indirect.gather [hbm4b:s3+s11], $0x40, s22, s11, $0xb8;
	[tilespmem:$0x16400] =	vst v63  }
0x34: {  	s8 =	smov.u32 s18;
	s16 =	simm.s32 $0x0;
	s9 =	smov.u32 s17  }
0x35: {  	[tilespmem:s25], [sflag:$0x4] =	stream.indirect.gather [hbm4b:s3+s11], $0x40, s24, s11, $0xb8;
	[tilespmem:$0x16400] =	vst v63  }
.LBB2_2:
0x36: {  	_ =	swait.ge [sflag:s26], $0x4000  }
0x37: {  	p0 =	seq.s32 s16, $0x18000;
	[sflag:s26] =	ssyncset.done $0x0  }
0x38: {  	s22 =	simm.s32 @!p0 $0x5;
	[sflag:s26] =	ssyncadd.s32 $0xFFFFC000  }
0x39: {  	[hbm4b:s6+s2] =	stream.linear.scatter [tilespmem:s12], [sflag:$0x5], $0x4000, $0x38;
	[tilespmem:$0x16400] =	vst v63  }
0x3a: {  	_ =	swait.ge @!p0 [sflag:s22], $0x4000  }
0x3b: {  	[sflag:s22] =	ssyncset.done @!p0 $0x0  }
0x3c: {  	[sflag:s22] =	ssyncadd.s32 @!p0 $0xFFFFC000;
	s22 =	sshra.s32 @!p0 s16, $0x2  }
0x3d: {  	s4 =	simm.s32 @!p0 $0x80;
	s5 =	simm.s32 @!p0 $0x6400;
	s24 =	sadd.s32 @!p0 $0x400, s22  }
0x3e: {  	[tilespmem:s5], [sflag:$0x1] =	stream.indirect.gather @!p0 [hbm4b:s3+s4], $0x40, s24, s4, $0xb8;
	[tilespmem:$0x16400] =	vst v63  }
0x3f: {  	s5 =	sadd.s32 @!p0 $0x480, s22;
	s24 =	simm.s32 @!p0 $0x8400  }
0x40: {  	[tilespmem:s24], [sflag:$0x1] =	stream.indirect.gather @!p0 [hbm4b:s3+s4], $0x40, s5, s4, $0xb8;
	[tilespmem:$0x16400] =	vst v63  }
0x41: {  	_ =	swait.ge [sflag:s28], $0x4000  }
0x42: {  	[sflag:s28] =	ssyncset.done $0x0  }
0x43: {  	s5 =	simm.s32 @!p0 $0x6;
	[sflag:s28] =	ssyncadd.s32 $0xFFFFC000  }
0x44: {  	[hbm4b:s9+s2] =	stream.linear.scatter [tilespmem:s15], [sflag:$0x6], $0x4000, $0x38;
	[tilespmem:$0x16400] =	vst v63  }
0x45: {  	_ =	swait.ge @!p0 [sflag:s5], $0x4000  }
0x46: {  	[sflag:s5] =	ssyncset.done @!p0 $0x0  }
0x47: {  	s24 =	simm.s32 @!p0 $0xA400;
	[sflag:s5] =	ssyncadd.s32 @!p0 $0xFFFFC000;
	s5 =	sadd.s32 @!p0 $0x500, s22  }
0x48: {  	[tilespmem:s24], [sflag:$0x2] =	stream.indirect.gather @!p0 [hbm4b:s3+s4], $0x40, s5, s4, $0xb8;
	[tilespmem:$0x16400] =	vst v63  }
0x49: {  	s5 =	sadd.s32 @!p0 $0x580, s22;
	s24 =	simm.s32 @!p0 $0xC400  }
0x4a: {  	[tilespmem:s24], [sflag:$0x2] =	stream.indirect.gather @!p0 [hbm4b:s3+s4], $0x40, s5, s4, $0xb8;
	[tilespmem:$0x16400] =	vst v63  }
0x4b: {  	_ =	swait.ge [sflag:s29], $0x4000  }
0x4c: {  	[sflag:s29] =	ssyncset.done $0x0  }
0x4d: {  	s5 =	simm.s32 @!p0 $0x7;
	[sflag:s29] =	ssyncadd.s32 $0xFFFFC000  }
0x4e: {  	[hbm4b:s8+s2] =	stream.linear.scatter [tilespmem:s19], [sflag:$0x7], $0x4000, $0x38;
	[tilespmem:$0x16400] =	vst v63  }
0x4f: {  	_ =	swait.ge @!p0 [sflag:s5], $0x4000  }
0x50: {  	[sflag:s5] =	ssyncset.done @!p0 $0x0  }
0x51: {  	s24 =	simm.s32 @!p0 $0xE400;
	[sflag:s5] =	ssyncadd.s32 @!p0 $0xFFFFC000;
	s5 =	sadd.s32 @!p0 $0x600, s22  }
0x52: {  	[tilespmem:s24], [sflag:$0x3] =	stream.indirect.gather @!p0 [hbm4b:s3+s4], $0x40, s5, s4, $0xb8;
	[tilespmem:$0x16400] =	vst v63  }
0x53: {  	s5 =	sadd.s32 @!p0 $0x680, s22;
	s22 =	simm.s32 @!p0 $0x10400  }
0x54: {  	[tilespmem:s22], [sflag:$0x3] =	stream.indirect.gather @!p0 [hbm4b:s3+s4], $0x40, s5, s4, $0xb8;
	[tilespmem:$0x16400] =	vst v63  }
.Ltmp2:
0x55: {  	_ = 	snop;
	(pc) =	sbr.rel @p0 .LBB2_4-.Ltmp2, $4  }
0x56: {  	_ =	swait.ge [sflag:s30], $0x4000  }
0x57: {  	[sflag:s30] =	ssyncset.done $0x0  }
0x58: {  	[sflag:s30] =	ssyncadd.s32 $0xFFFFC000  }
0x59: {  	[hbm4b:s7+s2] =	stream.linear.scatter [tilespmem:s23], [sflag:$0x8], $0x4000, $0x38;
	[tilespmem:$0x16400] =	vst v63  }
0x5a: {  	_ =	swait.ge [sflag:s13], $0x4000;
	s4 =	sshra.s32 s16, $0x2;
	s6 =	sadd.s32 $0x2000, s6  }
.Ltmp3:
0x5b: {  	s7 =	sadd.s32 $0x2000, s7;
	[sflag:s13] =	ssyncset.done $0x0;
	(pc) =	sbr.rel .LBB2_2-.Ltmp3, $4  }
0x5c: {  	s8 =	sadd.s32 $0x2000, s8;
	s5 =	sadd.s32 $0x700, s4;
	[sflag:s13] =	ssyncadd.s32 $0xFFFFC000  }
0x5d: {  	[tilespmem:s23], [sflag:$0x4] =	stream.indirect.gather [hbm4b:s3+s11], $0x40, s5, s11, $0xb8;
	[tilespmem:$0x16400] =	vst v63  }
0x5e: {  	s9 =	sadd.s32 $0x2000, s9;
	s16 =	sadd.s32 $0x1000, s16;
	s4 =	sadd.s32 $0x780, s4  }
0x5f: {  	[tilespmem:s25], [sflag:$0x4] =	stream.indirect.gather [hbm4b:s3+s11], $0x40, s4, s11, $0xb8;
	[tilespmem:$0x16400] =	vst v63  }
.LBB2_5:
0x60: {  	_ =	sfence.sel $0x180000  }
0x61: {  	[bflag:$0x0] =	sbarrier.arrive $0xFFFF  }
0x62: {  	_ =	strace $0x90000047  }
0x63: {  	s0 =	stileid.u32;
	[bflag:$0x2] =	sbarrier.arrive $0xFFFF  }
0x64: {  	p0 =	sne.s32 s0, $0x0;
	s0 =	rddreg [dreg:$0x2]  }
0x65: {  	s0 =	sadd.s32 @!p0 $0x100000, s0  }
0x66: {  	[sflag:s0] =	ssyncadd.tile.s32 @!p0 $0x1;
	_ =	shalt  }
.Lfunc_end2:
_tile_overlayer_lowered:
.L_overlay_start_2:
0x67: {  	(tag) =	ssettag $0x2  }
0x68: {  	s0 =	rddreg [dreg:$0x0];
	s2 =	stileid.u32  }
0x69: {  	s1 =	rddreg [dreg:$0x1];
	p0 =	sne.s32 s2, $0x0  }
0x6a: {  	s3 =	rddreg [dreg:$0x2];
	[bflag:$0x3] =	sbarrier.arrive $0xFFFF;
	s2 =	simm.s32 @!p0 $0x1C09  }
0x6b: {  	[timem:s3], [sflag:s2] =	dma.local @!p0 [hbm:s0], s1  }
0x6c: {  	s0 =	simm.s32 @!p0 $0x9  }
0x6d: {  	_ =	swait.ge @!p0 [sflag:s0], s1  }
0x6e: {  	s1 =	ssub.s32 @!p0 $0x0, s1;
	[sflag:s0] =	ssyncset.done @!p0 $0x0  }
0x6f: {  	[sflag:s0] =	ssyncadd.s32 @!p0 s1  }
0x70: {  	[bflag:$0x3] =	sbarrier.arrive $0xFFFF  }
0x71: {  	_ =	shalt  }

// kernel: sparse-core-data-format-call.cloned.1.call-start
scs
called_computation_lowered:
.L_overlay_start_0:
0x0: {  	s2 =	sld [smem:$0x3FD9]  }
0x1: {  	s3 =	sld [smem:$0x3FFE];
	_ =	sdelay $0x1  }
0x2: {  	s1 =	srdreg.scid  }
0x3: {  	s0 =	sand.u32 $0x1, s1  }
0x4: {  	s18 =	sshll.u32 s0, $0xA;
	s2 =	sadd.s32 s3, s2  }
0x5: {  	s2 =	sadd.s32 s2, s18  }
0x6: {  	[smem:$0x3FC6] =	sst s2  }
0x7: {  	_ = 	snop  }
0x8: {  	s2 =	sld [smem:$0x3FD0];
	(tm) =	ssettm $0x1  }
0x9: {  	s19 =	sld [smem:$0x3FFB];
	_ =	sdelay $0x3  }
0xa: {  	_ =	strace s19  }
0xb: {  	s3 =	sld [smem:$0x3FFC];
	_ =	sdelay $0x3  }
0xc: {  	_ =	strace s3  }
0xd: {  	s3 =	sld [smem:$0x3FFD];
	_ =	sdelay $0x3  }
0xe: {  	_ =	strace s3  }
0xf: {  	_ =	strace $0x8FFFFFFF  }
0x10: {  	s20 =	sld [smem:$0x3FDB];
	_ =	sdelay $0x1  }
0x11: {  	s4 =	simm.s32 $_scs_section_size  }
0x12: {  	s5 =	simm.s32 $_size__tile_overlayer_lowered;
	s6 =	simm.s32 $_tile_overlayer_lowered  }
0x13: {  	s23 =	simm.s32 $0x1BFF;
	s22 =	sshll.u32 s6, $0x1;
	s3 =	sadd.s32 s4, s20  }
0x14: {  	s7 =	simm.s32 $0x0;
	s21 =	sshll.u32 s5, $0x1;
	s5 =	sadd.s32 s22, s3  }
0x15: {  	[timem:s7], [sflag:s23] =	dma.local [hbm:s5], s21  }
0x16: {  	_ =	swait.ge [sflag:s23], s21  }
0x17: {  	s4 =	ssub.s32 $0x0, s21;
	[sflag:s23] =	ssyncset.done $0x0  }
0x18: {  	[sflag:s23] =	ssyncadd.s32 s4;
	_ =	sdelay $0x1  }
0x19: {  	s24 =	simm.s32 $0x1B8B  }
0x1a: {  	_ =	swait.ge [sflag:s24], $0x1  }
0x1b: {  	[sflag:s24] =	ssyncset.done $0x0  }
0x1c: {  	s26 =	simm.s32 $0x1B8E;
	s25 =	sld [smem:$0x3FFE];
	[sflag:s24] =	ssyncadd.s32 $0xFFFFFFFF  }
0x1d: {  	s27 =	simm.s32 $execute0_lowered;
	[smem:$0x3FD2] =	sst s26  }
0x1e: {  	s5 =	sshll.u32 s27, $0x1;
	_ =	strace $0x80000049;
	[dreg:$0x1] =	wrdreg $0xFFFFFFFF  }
0x1f: {  	s28 =	simm.s32 $_size_execute0_lowered;
	s3 =	sadd.s32 s3, s5;
	[dreg:$0x0] =	wrdreg $0x0  }
0x20: {  	s5 =	sshll.u32 s28, $0x1;
	[dreg:$0x2] =	wrdreg s3  }
0x21: {  	[dreg:$0x3] =	wrdreg s5  }
0x22: {  	[dreg:$0x4] =	wrdreg $0xC0  }
0x23: {  	_ =	task [dreg:s7], $0x5FFFF  }
0x24: {  	[dreg:$0x1] =	wrdreg $0xFFFFFFFF  }
0x25: {  	[dreg:$0x0] =	wrdreg $0x60  }
0x26: {  	[dreg:$0x2] =	wrdreg s25  }
0x27: {  	[dreg:$0x3] =	wrdreg s2  }
0x28: {  	[dreg:$0x4] =	wrdreg $0x9  }
0x29: {  	_ =	task.clear_ibuf [dreg:s7], $0x5FFFF;
	_ =	strace $0x90000049  }
0x2a: {  	s29 =	simm.s32 $0x9;
	_ =	strace $0x8000004B  }
0x2b: {  	_ =	swait.ge [sflag:s29], $0x1  }
0x2c: {  	[sflag:s29] =	ssyncadd.s32 $0xFFFFFFFF  }
0x2d: {  	_ =	strace $0x9000004B  }
0x2e: {  	_ =	sfence  }
0x2f: {  	s30 =	sld [smem:$0x0];
	_ =	sdelay $0x2  }
0x30: {  	s31 =	sshll.u32 s1, $0xD;
	s1 =	sshrl.u32 s1, $0x2  }
0x31: {  	s3 =	sand.u32 $0x4000, s31;
	s1 =	sadd.s32 s1, s30  }
0x32: {  	s0 =	sor.u32 s3, s0;
	s1 =	sshll.u32 s1, $0x11  }
0x33: {  	s0 =	sor.u32 s1, s0  }
0x34: {  	s0 =	sadd.s32 $0x8F2B, s0  }
0x35: {  	[sflag:s0] =	ssyncadd.remote.s32 $0x1  }
0x36: {  	_ =	sfence.sel $0xFFFF  }
0x37: {  	[dreg:$0x0] =	wrdreg $0xFFFFFFFF;
	(pc) =	sbr.abs _section_cstart, $3  }
0x38: {  	[dreg:$0x1] =	wrdreg $0xFFFFFFFF  }
0x39: {  	_ =	task.clear_ibuf [dreg:s7], $0x2FFFF;
	_ =	strace $0x9FFFFFFF  }
0x3a: {  	(tm) =	ssettm $0x7FFFFFFF  }
0x3b: {  	_ =	shalt  }
tec
execute0_lowered:
.L_overlay_start_1:
0x0: {  	(tag) =	ssettag $0x1  }
0x1: {  	s0 =	srdreg.scid  }
0x2: {  	s1 =	sshll.u32 s0, $0x4  }
0x3: {  	s0 =	stileid.u32;
	s1 =	sand.u32 $0x10, s1  }
0x4: {  	s1 =	sor.u32 s0, s1  }
0x5: {  	s6 =	rddreg [dreg:$0x0];
	s4 =	simm.s32 $0x1;
	s2 =	sshll.u32 s1, $0x7  }
0x6: {  	s7 =	simm.s32 $0x2;
	s12 =	simm.s32 $0x0;
	s1 =	ssub.s32 $0x1000, s2  }
0x7: {  	s8 =	simm.s32 $0x8000;
	s13 =	simm.s32 $0x0;
	s3 =	sand.u32 $0xF80, s1  }
0x8: {  	s9 =	simm.s32 $0x0;
	s5 =	sshrl.u32 s1, $0xC;
	p0 =	sne.s32 s3, $0x0  }
.Ltmp0:
0x9: {  	s1 =	rddreg [dreg:$0x2];
	s4 =	simm.s32 @!p0 $0x0;
	(pc) =	sbr.rel .LBB1_1-.Ltmp0, $4  }
0xa: {  	s11 =	simm.s32 $0x0;
	s3 =	rddreg [dreg:$0x1];
	s5 =	sadd.s32 s4, s5  }
0xb: {  	_ =	strace $0x8000004A;
	s4 =	simm.s32 $0x1;
	s5 =	smul.u32 $0xC8, s5  }
0xc: {  	s6 =	sadd.s32 $0xA00, s6;
	s10 =	smov.u32 s2;
	[sflag:s4] =	ssyncpa.u1 $0x0  }
0xd: {  	p0 =	por $0x0, $0x0;
	[sflag:s7] =	ssyncpa.u1 $0x0;
	s7 =	sor.u32 $0x1, s5  }
.LBB1_4:
0xe: {  	s16 =	sshll.u32 s13, $0x3;
	s17 =	sand.u32 $0x78, s13  }
0xf: {  	s30 =	sand.u32 $0x7E00, s13;
	s12 =	sshll.u32 s12, $0xF;
	s16 =	sand.u32 $0xC00, s16  }
0x10: {  	[tilespmem:s15+$0x810 ss:$0x81] =	vst.msk $0xffff, v2;
	s31 =	sand.u32 $0x7, s13;
	s16 =	sor.u32 s17, s16;
	s17 =	sadd.s32 s3, s30  }
0x11: {  	[tilespmem:s15+$0x1020 ss:$0x81] =	vst.msk $0xffff, v0;
	s13 =	sshll.u32 s31, $0x12;
	s12 =	sadd.s32 s12, s17;
	s16 =	sshrl.u32 s16, $0x3  }
0x12: {  	[tilespmem:s15+$0x0 ss:$0x81] =	vst.msk $0xffff, v1;
	s13 =	sor.u32 $0x400, s13;
	s12 =	sadd.s32 s16, s12  }
0x13: {  	[hbm4b:s12+s13] =	stream.strided.scatter [tilespmem:s14], [sflag:$0x2], $0x2000, s8, s13, $0x20;
	[tilespmem:$0x8080] =	vst v63  }
.LBB1_5:
0x14: {  	s14 =	sadd.s32 $0x1, s9  }
0x15: {  	s12 =	sadd.s32 $0x1000, s10;
	s16 =	smov.u32 s10;
	p2 =	sgt.s32 s14, $0xC7  }
0x16: {  	s16 =	smov.u32 @p2 s12  }
0x17: {  	s14 =	simm.s32 @p2 $0x0;
	p2 =	sgt.s32 s16, $0xFFF  }
0x18: {  	s16 =	smov.u32 @p2 s2;
	p2 =	sne.s32 s11, s7  }
.Ltmp1:
0x19: {  	p1 =	slt.u32 s11, $0x2;
	(pc) =	sbr.rel @!p2 .LBB1_6-.Ltmp1, $4  }
0x1a: {  	s15 =	simm.s32 @!p1 $0x2  }
0x1b: {  	s13 =	smov.u32 s10;
	p0 =	por !p0, !p0;
	_ =	swait.ge @!p1 [sflag:s15], $0x2000  }
0x1c: {  	s12 =	smov.u32 s9;
	[sflag:s15] =	ssyncset.done @!p1 $0x0;
	s9 =	smov.u32 s14  }
0x1d: {  	s11 =	sadd.s32 $0x1, s11;
	[sflag:s15] =	ssyncadd.s32 @!p1 $0xFFFFE000;
	s10 =	smov.u32 s16  }
.LBB1_1:
0x1e: {  	p1 =	sge.u32 s11, s5  }
0x1f: {  	s14 =	sand.u32 @!p1 $0x1FFFFFF, s9  }
0x20: {  	s15 =	smulhi.u32 @!p1 $0x147AE15, s14;
	_ =	sdelay $0x1  }
0x21: {  	s15 =	smul.u32 @!p1 $0xC8, s15  }
0x22: {  	s16 =	sxor.u32 @!p1 $0xFFFFFFFF, s11;
	s17 =	smul.u32 @!p1 $0xC80, s10  }
0x23: {  	s31 =	sadd.s32 $0xFFFFFFFF, s11;
	s16 =	sshll.u32 @!p1 s16, $0xD;
	s14 =	ssub.s32 @!p1 s14, s15  }
0x24: {  	s15 =	sand.u32 @!p1 $0x2000, s16;
	s16 =	sadd.s32 @!p1 s6, s17;
	s14 =	sshll.u32 @!p1 s14, $0x4  }
0x25: {  	s17 =	simm.s32 @!p1 $0x6400;
	s14 =	sadd.s32 @!p1 s14, s16;
	s16 =	simm.s32 @!p1 $0x40  }
0x26: {  	[tilespmem:s15], [sflag:$0x1] =	stream.strided.gather @!p1 [hbm4b:s14+s16], $0x2000, s17, s16, $0x38;
	[tilespmem:$0x8080] =	vst v63  }
0x27: {  	p1 =	sge.u32 s31, s5  }
.Ltmp2:
0x28: {  	_ = 	snop;
	(pc) =	sbr.rel @p1 .LBB1_5-.Ltmp2, $1  }
0x29: {  	_ =	sdelay $0x3  }
0x2a: {  	s14 =	simm.s32 $0x1  }
0x2b: {  	_ =	swait.ge [sflag:s4], $0x2000;
	s14 =	simm.s32 @!p0 $0x0  }
0x2c: {  	[sflag:s4] =	ssyncset.done $0x0;
	s15 =	sshll.u32 s14, $0xD  }
0x2d: {  	[sflag:s4] =	ssyncadd.s32 $0xFFFFE000;
	s18 =	sor.u32 $0x20, s15  }
0x2e: {  	s14 =	smul.u32 $0x8100, s14;
	v3 =	vld [tilespmem:s18+$0x10]  }
0x2f: {  	s30 =	sand.u32 $0x1, s11;
	v2 =	vld [tilespmem:s18+$0xFFFFFFF0]  }
0x30: {  	s15 =	smul.u32 $0x8100, s30;
	s14 =	sshrl.u32 s14, $0x2;
	v0 =	vld [tilespmem:s18+$0x0]  }
0x31: {  	v1 =	vld [tilespmem:s18+$0xFFFFFFE0];
	s16 =	sor.u32 $0x4000, s14  }
0x32: {  	s31 =	sshrl.u32 s15, $0x2;
	s15 =	sadd.s32 $0x0, s16  }
0x33: {  	s17 =	simm.s32 $0x4;
	s18 =	sadd.s32 $0x40, s18;
	s14 =	sor.u32 $0x4000, s31;
	[tilespmem:s15+$0x1830 ss:$0x81] =	vst.msk $0xffff, v3  }
.LBB1_3:
0x34: {  	v3 =	vld [tilespmem:s18+$0x10];
	p1 =	sne.s32 s17, $0x1FC;
	[tilespmem:s15+$0x810 ss:$0x81] =	vst.msk $0xffff, v2;
	s19 =	smov.u32 s17;
	s17 =	sadd.s32 $0x4, s17  }
.Ltmp3:
0x35: {  	v2 =	vld [tilespmem:s18+$0xFFFFFFF0];
	[tilespmem:s15+$0x1020 ss:$0x81] =	vst.msk $0xffff, v0;
	(pc) =	sbr.rel @p1 .LBB1_3-.Ltmp3, $4  }
0x36: {  	v0 =	vld [tilespmem:s18+$0x0];
	[tilespmem:s15+$0x0 ss:$0x81] =	vst.msk $0xffff, v1  }
0x37: {  	s15 =	sshra.s32 s19, $0x2;
	v1 =	vld [tilespmem:s18+$0xFFFFFFE0]  }
0x38: {  	s15 =	sadd.s32 s15, s16  }
0x39: {  	s18 =	sadd.s32 $0x40, s18;
	[tilespmem:s15+$0x1830 ss:$0x81] =	vst.msk $0xffff, v3  }
.Ltmp4:
0x3a: {  	_ = 	snop;
	(pc) =	sbr.rel .LBB1_4-.Ltmp4, $1  }
0x3b: {  	_ =	sdelay $0x3  }
.LBB1_6:
0x3c: {  	_ =	sfence.sel $0x180000  }
0x3d: {  	s2 =	simm.s32 $0x1;
	[bflag:$0x0] =	sbarrier.arrive $0xFFFF  }
0x3e: {  	s31 =	simm.s32 $0x2;
	[sflag:s2] =	ssyncpa.u1 $0x1  }
0x3f: {  	[sflag:s31] =	ssyncpa.u1 $0x1  }
0x40: {  	p0 =	sne.s32 s0, $0x0;
	_ =	strace $0x9000004A  }
0x41: {  	s0 =	sadd.s32 @!p0 $0x100000, s1;
	[bflag:$0x2] =	sbarrier.arrive $0xFFFF  }
0x42: {  	[sflag:s0] =	ssyncadd.tile.s32 @!p0 $0x1;
	_ =	shalt  }
.Lfunc_end1:
_tile_overlayer_lowered:
.L_overlay_start_2:
0x43: {  	(tag) =	ssettag $0x2  }
0x44: {  	s0 =	rddreg [dreg:$0x0];
	s2 =	stileid.u32  }
0x45: {  	s1 =	rddreg [dreg:$0x1];
	p0 =	sne.s32 s2, $0x0  }
0x46: {  	s3 =	rddreg [dreg:$0x2];
	[bflag:$0x3] =	sbarrier.arrive $0xFFFF;
	s2 =	simm.s32 @!p0 $0x1C01  }
0x47: {  	[timem:s3], [sflag:s2] =	dma.local @!p0 [hbm:s0], s1  }
0x48: {  	s0 =	simm.s32 @!p0 $0x1  }
0x49: {  	_ =	swait.ge @!p0 [sflag:s0], s1  }
0x4a: {  	s1 =	ssub.s32 @!p0 $0x0, s1;
	[sflag:s0] =	ssyncset.done @!p0 $0x0  }
0x4b: {  	[sflag:s0] =	ssyncadd.s32 @!p0 s1  }
0x4c: {  	[bflag:$0x3] =	sbarrier.arrive $0xFFFF  }
0x4d: {  	_ =	shalt  }

</sc_bundles>
